<compile_context>
chip_gen: v7x
topology: tpu7x:2x2x1
jax: 0.10.2.dev20260603
libtpu: 0.0.44.dev20260713+nightly
codegen_flags: <defaults>
</compile_context>

<pallas_src>
import functools

import jax
import jax.numpy as jnp
from jax import lax
from jax.experimental import pallas as pl
from jax.experimental.pallas import tpu as pltpu
from jax.experimental.pallas import tpu_sc as plsc

N = 160000
D = 256
DIM = 10000
DIMP = 10240
NC = 2
NS = 16
L = 16
EPT = N // NS
CHUNKS = EPT // L
SLICE = DIMP // NS
OUT_PER = DIMP // (NC * NS)
GCH = 80
NGCH = OUT_PER // GCH
U = 4

_NEG_INF = float(jnp.finfo(jnp.float32).min)


def _any_lane(mask):
    cnt = plsc.all_reduce_population_count(mask)
    return jnp.squeeze(lax.slice(cnt, (0,), (1,))) > 0


def _lex_update(tseg_v, pmax_v, tmp_v, idx, tv, pos, act):
    plsc.store_scatter(tmp_v, [idx], pos, mask=act)
    w = plsc.load_gather(tmp_v, [idx])
    win = jnp.logical_and(act, w == pos)
    ct = plsc.load_gather(tseg_v, [idx])
    cp = plsc.load_gather(pmax_v, [idx])
    bet = jnp.logical_or(tv > ct,
                         jnp.logical_and(tv == ct, pos > cp))
    wr = jnp.logical_and(win, bet)
    plsc.store_scatter(tseg_v, [idx], tv, mask=wr)
    plsc.store_scatter(pmax_v, [idx], pos, mask=wr)
    return jnp.logical_and(jnp.logical_and(act, jnp.logical_not(win)), bet)


def _body(msg_hbm, idx_hbm, t_hbm, ninf_hbm, neg1_hbm, out_hbm,
          idx_v, t_v, tseg_v, pmax_v, tmp_v, red_v,
          red_p, amax_v, safe_v, rows0_v, rows1_v, zrow_v,
          sem_in, sem0, sem1, sp_t, sp_p):
    c = lax.axis_index("c")
    s = lax.axis_index("s")
    base_in = s * EPT
    lane = lax.iota(jnp.int32, L)

    pltpu.async_copy(idx_hbm.at[pl.ds(base_in, EPT)], idx_v, sem_in)
    pltpu.async_copy(t_hbm.at[pl.ds(base_in, EPT)], t_v, sem_in)
    pltpu.async_copy(ninf_hbm, tseg_v, sem_in)
    cp_last = pltpu.async_copy(neg1_hbm, tmp_v, sem_in)
    pltpu.make_async_copy(idx_hbm.at[pl.ds(base_in, EPT)], idx_v,
                          sem_in).wait()
    pltpu.make_async_copy(t_hbm.at[pl.ds(base_in, EPT)], t_v,
                          sem_in).wait()
    pltpu.make_async_copy(ninf_hbm, tseg_v, sem_in).wait()
    cp_last.wait()

    all_act = lane >= 0

    def _slow_fix(idx, tv, pos, rem):
        def cond(m):
            return _any_lane(m > 0)

        def body(m):
            return _lex_update(
                tseg_v, pmax_v, tmp_v, idx, tv, pos, m > 0
            ).astype(jnp.int32)

        lax.while_loop(cond, body, rem.astype(jnp.int32))

    def group(i, _):
        base = i * (U * L)
        idxs, tvs, poss, ws = [], [], [], []
        for j in range(U):
            idx = idx_v[pl.ds(base + j * L, L)]
            tv = t_v[pl.ds(base + j * L, L)]
            pos = base_in + base + j * L + lane
            plsc.store_scatter(tmp_v, [idx], pos)
            idxs.append(idx)
            tvs.append(tv)
            poss.append(pos)
        for j in range(U):
            ws.append(plsc.load_gather(tmp_v, [idxs[j]]))
        rems = []
        for j in range(U):
            win = ws[j] == poss[j]
            ct = plsc.load_gather(tseg_v, [idxs[j]])
            cp = plsc.load_gather(pmax_v, [idxs[j]])
            bet = jnp.logical_or(
                tvs[j] > ct,
                jnp.logical_and(tvs[j] == ct, poss[j] > cp))
            wr = jnp.logical_and(win, bet)
            plsc.store_scatter(tseg_v, [idxs[j]], tvs[j], mask=wr)
            plsc.store_scatter(pmax_v, [idxs[j]], poss[j], mask=wr)
            rems.append(jnp.logical_and(jnp.logical_not(win), bet))
        any_rem = rems[0]
        for j in range(1, U):
            any_rem = jnp.logical_or(any_rem, rems[j])

        @pl.when(_any_lane(any_rem))
        def _slow():
            for j in range(U):
                _slow_fix(idxs[j], tvs[j], poss[j], rems[j])

        return _

    lax.fori_loop(0, CHUNKS // U, group, None)

    for i in range(U * (CHUNKS // U), CHUNKS):
        idx = idx_v[pl.ds(i * L, L)]
        tv = t_v[pl.ds(i * L, L)]
        pos = base_in + i * L + lane
        rem = _lex_update(tseg_v, pmax_v, tmp_v, idx, tv, pos, all_act)

        @pl.when(_any_lane(rem))
        def _slow_tail():
            _slow_fix(idx, tv, pos, rem)

    pltpu.sync_copy(tseg_v, sp_t.at[s])
    pltpu.sync_copy(pmax_v, sp_p.at[s])
    plsc.subcore_barrier()
    woff = s * SLICE + c * 256
    pltpu.sync_copy(sp_t.at[:, pl.ds(woff, 384)], red_v)
    pltpu.sync_copy(sp_p.at[:, pl.ds(woff, 384)], red_p)
    coff = c * 64

    def red(j, _):
        ta = red_v[0, pl.ds(coff + j * L, L)]
        pa = red_p[0, pl.ds(coff + j * L, L)]
        for k in range(1, NS):
            tk = red_v[k, pl.ds(coff + j * L, L)]
            pk = red_p[k, pl.ds(coff + j * L, L)]
            b = jnp.logical_or(tk > ta,
                               jnp.logical_and(tk == ta, pk > pa))
            ta = jnp.where(b, tk, ta)
            pa = jnp.where(b, pk, pa)
        amax_v[pl.ds(j * L, L)] = jnp.where(
            ta == _NEG_INF, jnp.int32(-1), pa)
        return _

    lax.fori_loop(0, OUT_PER // L, red, None)

    obase = s * SLICE + c * OUT_PER
    for j in range(OUT_PER // L):
        a = amax_v[pl.ds(j * L, L)]
        safe_v[pl.ds(j * L, L)] = jnp.maximum(a, 0)
    for k in range(D // L):
        zrow_v[0, pl.ds(k * L, L)] = jnp.zeros((L,), jnp.float32)

    rows = [rows0_v, rows1_v]
    sems = [sem0, sem1]

    def in_range(cc):
        return obase + cc * GCH + GCH <= DIM

    def issue(cc):
        pltpu.async_copy(
            msg_hbm.at[safe_v.at[pl.ds(cc * GCH, GCH)]],
            rows[cc % 2], sems[cc % 2])

    def drain(cc):
        pltpu.make_async_copy(
            msg_hbm.at[safe_v.at[pl.ds(cc * GCH, GCH)]],
            rows[cc % 2], sems[cc % 2]).wait()

    for cc in range(2):
        @pl.when(in_range(cc))
        def _pre(cc=cc):
            issue(cc)

    for cc in range(NGCH):
        @pl.when(in_range(cc))
        def _chunk(cc=cc):
            drain(cc)
            if cc + 2 < NGCH:
                @pl.when(in_range(cc + 2))
                def _nxt():
                    issue(cc + 2)
            pltpu.sync_copy(rows[cc % 2],
                            out_hbm.at[pl.ds(obase + cc * GCH, GCH)])

    def zfix(j, _):
        a16 = amax_v[pl.ds(j * L, L)]

        @pl.when(_any_lane(a16 < 0))
        def _zero():
            def zrow(r, _):
                a_r = jnp.sum(jnp.where(lane == r, a16, 0))
                row = obase + j * L + r

                @pl.when(jnp.logical_and(a_r < 0, row < DIM))
                def _wr():
                    pltpu.sync_copy(zrow_v, out_hbm.at[pl.ds(row, 1)])

                return _

            lax.fori_loop(0, L, zrow, None)

        return _

    lax.fori_loop(0, OUT_PER // L, zfix, None)


@functools.partial(jax.jit, static_argnums=())
def kernel(msg, index, t, dim_size):
    del dim_size
    ninf = jnp.full((DIMP,), _NEG_INF, dtype=jnp.float32)
    neg1 = jnp.full((DIMP,), -1, dtype=jnp.int32)

    mesh = plsc.VectorSubcoreMesh(
        core_axis_name="c", subcore_axis_name="s",
        num_cores=NC, num_subcores=NS)
    run = pl.kernel(
        _body,
        out_type=jax.ShapeDtypeStruct((DIM, D), jnp.float32),
        mesh=mesh,
        compiler_params=pltpu.CompilerParams(needs_layout_passes=False),
        scratch_types=[
            pltpu.VMEM((EPT,), jnp.int32),
            pltpu.VMEM((EPT,), jnp.float32),
            pltpu.VMEM((DIMP,), jnp.float32),
            pltpu.VMEM((DIMP,), jnp.int32),
            pltpu.VMEM((DIMP,), jnp.int32),
            pltpu.VMEM((NS, 384), jnp.float32),
            pltpu.VMEM((NS, 384), jnp.int32),
            pltpu.VMEM((OUT_PER,), jnp.int32),
            pltpu.VMEM((OUT_PER,), jnp.int32),
            pltpu.VMEM((GCH, D), jnp.float32),
            pltpu.VMEM((GCH, D), jnp.float32),
            pltpu.VMEM((1, D), jnp.float32),
            pltpu.SemaphoreType.DMA,
            pltpu.SemaphoreType.DMA,
            pltpu.SemaphoreType.DMA,
            pltpu.VMEM_SHARED((NS, DIMP), jnp.float32),
            pltpu.VMEM_SHARED((NS, DIMP), jnp.int32),
        ],
    )
    return run(msg, index, t, ninf, neg1)

# --- scband reference (transcript-rebuilt; emitter-appended) ---
"""Pipeline reference for scband-last-aggregator-89893665505354 (READ-ONLY COPY).

The authoritative reference and input builder live on the scoring server;
editing this copy changes nothing except your own understanding.
"""

import jax, jax.numpy as jnp
import numpy as np


def setup_inputs(seed: int = 0) -> dict:
    key = jax.random.key(seed)
    k1, k2, k3 = jax.random.split(key, 3)
    N, d, dim_size = 160000, 256, 10000
    msg = jax.random.normal(k1, (N, d), dtype=jnp.float32)
    index = jax.random.randint(k2, (N,), 0, dim_size, dtype=jnp.int32)
    t = jax.random.uniform(k3, (N,), dtype=jnp.float32)
    return {"msg": msg, "index": index, "t": t, "dim_size": dim_size}


def reference(msg, index, t, dim_size):
    # mask = index < dim_size (faithful to torch impl)
    mask = index < dim_size
    N = msg.shape[0]
    DIM = 10000
    # scatter_max(t, index, dim_size) -> (max_vals, argmax); empty segments get invalid argmax
    neg_inf = jnp.finfo(t.dtype).min
    t_eff = jnp.where(mask, t, neg_inf)
    idx_eff = jnp.where(mask, index, jnp.array(0, dtype=index.dtype))
    seg_max = jnp.full((DIM,), neg_inf, dtype=t.dtype).at[idx_eff].max(t_eff)
    is_max = mask & (t_eff == seg_max[idx_eff])
    pos = jnp.arange(N, dtype=jnp.int32)
    cand = jnp.where(is_max, pos, jnp.array(-1, dtype=jnp.int32))
    argmax = jnp.full((DIM,), -1, dtype=jnp.int32).at[idx_eff].max(cand)
    # valid segments: argmax >= 0 (torch version: argmax < msg.size(0), empty = out-of-range)
    valid = argmax >= 0
    safe = jnp.where(valid, argmax, 0)
    gathered = jnp.take(msg, safe, axis=0)
    out = jnp.where(valid[:, None], gathered, jnp.zeros_like(gathered))
    return out

if __name__ == "__main__":
    import jax
    _d = setup_inputs()
    print(jax.jit(kernel)(*tuple(_d.values())))

</pallas_src>

<mosaic_0001>
#map = affine_map<(d0, d1) -> (0, 0)>
#map1 = affine_map<(d0, d1) -> (0)>
module attributes {stable_mosaic.version = 14 : i64} {
  func.func @_body(%arg0: i32, %arg1: i32, %arg2: memref<160000x256xf32, #tpu.memory_space<hbm>>, %arg3: memref<160000xi32, #tpu.memory_space<hbm>>, %arg4: memref<160000xf32, #tpu.memory_space<hbm>>, %arg5: memref<10240xf32, #tpu.memory_space<hbm>>, %arg6: memref<10240xi32, #tpu.memory_space<hbm>>, %arg7: memref<10000x256xf32, #tpu.memory_space<hbm>>, %arg8: memref<10000xi32, #tpu.memory_space<vmem>>, %arg9: memref<10000xf32, #tpu.memory_space<vmem>>, %arg10: memref<10240xf32, #tpu.memory_space<vmem>>, %arg11: memref<10240xi32, #tpu.memory_space<vmem>>, %arg12: memref<10240xi32, #tpu.memory_space<vmem>>, %arg13: memref<16x384xf32, #tpu.memory_space<vmem>>, %arg14: memref<16x384xi32, #tpu.memory_space<vmem>>, %arg15: memref<320xi32, #tpu.memory_space<vmem>>, %arg16: memref<320xi32, #tpu.memory_space<vmem>>, %arg17: memref<80x256xf32, #tpu.memory_space<vmem>>, %arg18: memref<80x256xf32, #tpu.memory_space<vmem>>, %arg19: memref<1x256xf32, #tpu.memory_space<vmem>>, %arg20: memref<!tpu.dma_semaphore, #tpu.memory_space<semaphore_mem>>, %arg21: memref<!tpu.dma_semaphore, #tpu.memory_space<semaphore_mem>>, %arg22: memref<!tpu.dma_semaphore, #tpu.memory_space<semaphore_mem>>, %arg23: memref<16x10240xf32, #tpu.memory_space<vmem_shared>>, %arg24: memref<16x10240xi32, #tpu.memory_space<vmem_shared>>) attributes {dimension_semantics = [#tpu.dimension_semantics<core_parallel>, #tpu.dimension_semantics<subcore_parallel>], iteration_bounds = array<i64: 2, 16>, scalar_prefetch = 0 : i64, scratch_operands = 17 : i64, tpu.core_type = #tpu.core_type<sc_vector_subcore>, window_params = [{transform_indices = #map}, {transform_indices = #map1}, {transform_indices = #map1}, {transform_indices = #map1}, {transform_indices = #map1}, {transform_indices = #map}]} {
    %mul3A = arith.constant 10000 : i32
    %mul3A_0 = arith.muli %arg1, %mul3A : i32
    %iota3A = tpu.iota {dimensions = array<i32: 0>} : vector<16xi32>
    %dma_start3A = tpu.memref_slice %arg3[%mul3A_0] : memref<160000xi32, #tpu.memory_space<hbm>> -> memref<10000xi32, #tpu.memory_space<hbm>>
    %dma_start3A_1 = tpu.memref_slice %arg3[%mul3A_0] : memref<160000xi32, #tpu.memory_space<hbm>> -> memref<10000xi32, #tpu.memory_space<hbm>>
    tpu.enqueue_dma source(%dma_start3A_1 : memref<10000xi32, #tpu.memory_space<hbm>>) target(%arg8 : memref<10000xi32, #tpu.memory_space<vmem>>) target_semaphore(%arg20 : memref<!tpu.dma_semaphore, #tpu.memory_space<semaphore_mem>>)
    %dma_start3A_2 = tpu.memref_slice %arg4[%mul3A_0] : memref<160000xf32, #tpu.memory_space<hbm>> -> memref<10000xf32, #tpu.memory_space<hbm>>
    %dma_start3A_3 = tpu.memref_slice %arg4[%mul3A_0] : memref<160000xf32, #tpu.memory_space<hbm>> -> memref<10000xf32, #tpu.memory_space<hbm>>
    tpu.enqueue_dma source(%dma_start3A_3 : memref<10000xf32, #tpu.memory_space<hbm>>) target(%arg9 : memref<10000xf32, #tpu.memory_space<vmem>>) target_semaphore(%arg20 : memref<!tpu.dma_semaphore, #tpu.memory_space<semaphore_mem>>)
    tpu.enqueue_dma source(%arg5 : memref<10240xf32, #tpu.memory_space<hbm>>) target(%arg10 : memref<10240xf32, #tpu.memory_space<vmem>>) target_semaphore(%arg20 : memref<!tpu.dma_semaphore, #tpu.memory_space<semaphore_mem>>)
    tpu.enqueue_dma source(%arg6 : memref<10240xi32, #tpu.memory_space<hbm>>) target(%arg12 : memref<10240xi32, #tpu.memory_space<vmem>>) target_semaphore(%arg20 : memref<!tpu.dma_semaphore, #tpu.memory_space<semaphore_mem>>)
    %dma_wait3A = tpu.memref_slice %arg3[%mul3A_0] : memref<160000xi32, #tpu.memory_space<hbm>> -> memref<10000xi32, #tpu.memory_space<hbm>>
    %dma_wait3A_4 = tpu.memref_slice %arg3[%mul3A_0] : memref<160000xi32, #tpu.memory_space<hbm>> -> memref<10000xi32, #tpu.memory_space<hbm>>
    tpu.wait_dma2 semaphore(%arg20 : memref<!tpu.dma_semaphore, #tpu.memory_space<semaphore_mem>>) src(%dma_wait3A_4 : memref<10000xi32, #tpu.memory_space<hbm>>) dst(%arg8 : memref<10000xi32, #tpu.memory_space<vmem>>)
    %dma_wait3A_5 = tpu.memref_slice %arg4[%mul3A_0] : memref<160000xf32, #tpu.memory_space<hbm>> -> memref<10000xf32, #tpu.memory_space<hbm>>
    %dma_wait3A_6 = tpu.memref_slice %arg4[%mul3A_0] : memref<160000xf32, #tpu.memory_space<hbm>> -> memref<10000xf32, #tpu.memory_space<hbm>>
    tpu.wait_dma2 semaphore(%arg20 : memref<!tpu.dma_semaphore, #tpu.memory_space<semaphore_mem>>) src(%dma_wait3A_6 : memref<10000xf32, #tpu.memory_space<hbm>>) dst(%arg9 : memref<10000xf32, #tpu.memory_space<vmem>>)
    tpu.wait_dma2 semaphore(%arg20 : memref<!tpu.dma_semaphore, #tpu.memory_space<semaphore_mem>>) src(%arg5 : memref<10240xf32, #tpu.memory_space<hbm>>) dst(%arg10 : memref<10240xf32, #tpu.memory_space<vmem>>)
    tpu.wait_dma2 semaphore(%arg20 : memref<!tpu.dma_semaphore, #tpu.memory_space<semaphore_mem>>) src(%arg6 : memref<10240xi32, #tpu.memory_space<hbm>>) dst(%arg12 : memref<10240xi32, #tpu.memory_space<vmem>>)
    %ge3A = arith.constant 0 : i32
    %ge3A_7 = vector.broadcast %ge3A : i32 to vector<16xi32>
    %ge3A_8 = arith.cmpi sge, %iota3A, %ge3A_7 : vector<16xi32>
    %scan3A = arith.constant 0 : i32
    %scan3A_9 = arith.constant 156 : i32
    %scan3A_10 = arith.addi %scan3A, %scan3A_9 : i32
    %scan3A_11 = arith.constant 1 : i32
    scf.for %scan3A_339 = %scan3A to %scan3A_10 step %scan3A_11  : i32 {
      %mul3A_340 = arith.constant 64 : i32
      %mul3A_341 = arith.muli %scan3A_339, %mul3A_340 : i32
      %add3A_342 = arith.constant 0 : i32
      %add3A_343 = arith.addi %mul3A_341, %add3A_342 : i32
      %get3A_344 = arith.index_cast %add3A_343 : i32 to index
      %get3A_345 = tpu.vector_load %arg8[%get3A_344] {strides = array<i32>} : memref<10000xi32, #tpu.memory_space<vmem>>, vector<16xi32>,
      %add3A_346 = arith.constant 0 : i32
      %add3A_347 = arith.addi %mul3A_341, %add3A_346 : i32
      %get3A_348 = arith.index_cast %add3A_347 : i32 to index
      %get3A_349 = tpu.vector_load %arg9[%get3A_348] {strides = array<i32>} : memref<10000xf32, #tpu.memory_space<vmem>>, vector<16xf32>,
      %add3A_350 = arith.addi %mul3A_0, %mul3A_341 : i32
      %add3A_351 = arith.constant 0 : i32
      %add3A_352 = arith.addi %add3A_350, %add3A_351 : i32
      %add3A_353 = vector.broadcast %add3A_352 : i32 to vector<16xi32>
      %add3A_354 = arith.addi %add3A_353, %iota3A : vector<16xi32>
      tpu.vector_store_idx %arg12[%get3A_345], %add3A_354 : memref<10240xi32, #tpu.memory_space<vmem>>[vector<16xi32>], vector<16xi32>,
      %add3A_355 = arith.constant 16 : i32
      %add3A_356 = arith.addi %mul3A_341, %add3A_355 : i32
      %get3A_357 = arith.index_cast %add3A_356 : i32 to index
      %get3A_358 = tpu.vector_load %arg8[%get3A_357] {strides = array<i32>} : memref<10000xi32, #tpu.memory_space<vmem>>, vector<16xi32>,
      %add3A_359 = arith.constant 16 : i32
      %add3A_360 = arith.addi %mul3A_341, %add3A_359 : i32
      %get3A_361 = arith.index_cast %add3A_360 : i32 to index
      %get3A_362 = tpu.vector_load %arg9[%get3A_361] {strides = array<i32>} : memref<10000xf32, #tpu.memory_space<vmem>>, vector<16xf32>,
      %add3A_363 = arith.addi %mul3A_0, %mul3A_341 : i32
      %add3A_364 = arith.constant 16 : i32
      %add3A_365 = arith.addi %add3A_363, %add3A_364 : i32
      %add3A_366 = vector.broadcast %add3A_365 : i32 to vector<16xi32>
      %add3A_367 = arith.addi %add3A_366, %iota3A : vector<16xi32>
      tpu.vector_store_idx %arg12[%get3A_358], %add3A_367 : memref<10240xi32, #tpu.memory_space<vmem>>[vector<16xi32>], vector<16xi32>,
      %add3A_368 = arith.constant 32 : i32
      %add3A_369 = arith.addi %mul3A_341, %add3A_368 : i32
      %get3A_370 = arith.index_cast %add3A_369 : i32 to index
      %get3A_371 = tpu.vector_load %arg8[%get3A_370] {strides = array<i32>} : memref<10000xi32, #tpu.memory_space<vmem>>, vector<16xi32>,
      %add3A_372 = arith.constant 32 : i32
      %add3A_373 = arith.addi %mul3A_341, %add3A_372 : i32
      %get3A_374 = arith.index_cast %add3A_373 : i32 to index
      %get3A_375 = tpu.vector_load %arg9[%get3A_374] {strides = array<i32>} : memref<10000xf32, #tpu.memory_space<vmem>>, vector<16xf32>,
      %add3A_376 = arith.addi %mul3A_0, %mul3A_341 : i32
      %add3A_377 = arith.constant 32 : i32
      %add3A_378 = arith.addi %add3A_376, %add3A_377 : i32
      %add3A_379 = vector.broadcast %add3A_378 : i32 to vector<16xi32>
      %add3A_380 = arith.addi %add3A_379, %iota3A : vector<16xi32>
      tpu.vector_store_idx %arg12[%get3A_371], %add3A_380 : memref<10240xi32, #tpu.memory_space<vmem>>[vector<16xi32>], vector<16xi32>,
      %add3A_381 = arith.constant 48 : i32
      %add3A_382 = arith.addi %mul3A_341, %add3A_381 : i32
      %get3A_383 = arith.index_cast %add3A_382 : i32 to index
      %get3A_384 = tpu.vector_load %arg8[%get3A_383] {strides = array<i32>} : memref<10000xi32, #tpu.memory_space<vmem>>, vector<16xi32>,
      %add3A_385 = arith.constant 48 : i32
      %add3A_386 = arith.addi %mul3A_341, %add3A_385 : i32
      %get3A_387 = arith.index_cast %add3A_386 : i32 to index
      %get3A_388 = tpu.vector_load %arg9[%get3A_387] {strides = array<i32>} : memref<10000xf32, #tpu.memory_space<vmem>>, vector<16xf32>,
      %add3A_389 = arith.addi %mul3A_0, %mul3A_341 : i32
      %add3A_390 = arith.constant 48 : i32
      %add3A_391 = arith.addi %add3A_389, %add3A_390 : i32
      %add3A_392 = vector.broadcast %add3A_391 : i32 to vector<16xi32>
      %add3A_393 = arith.addi %add3A_392, %iota3A : vector<16xi32>
      tpu.vector_store_idx %arg12[%get3A_384], %add3A_393 : memref<10240xi32, #tpu.memory_space<vmem>>[vector<16xi32>], vector<16xi32>,
      %gather3A_394 = tpu.vector_load_idx %arg12[%get3A_345] : memref<10240xi32, #tpu.memory_space<vmem>>[vector<16xi32>], vector<16xi32>,
      %gather3A_395 = tpu.vector_load_idx %arg12[%get3A_358] : memref<10240xi32, #tpu.memory_space<vmem>>[vector<16xi32>], vector<16xi32>,
      %gather3A_396 = tpu.vector_load_idx %arg12[%get3A_371] : memref<10240xi32, #tpu.memory_space<vmem>>[vector<16xi32>], vector<16xi32>,
      %gather3A_397 = tpu.vector_load_idx %arg12[%get3A_384] : memref<10240xi32, #tpu.memory_space<vmem>>[vector<16xi32>], vector<16xi32>,
      %eq3A_398 = arith.cmpi eq, %gather3A_394, %add3A_354 : vector<16xi32>
      %gather3A_399 = tpu.vector_load_idx %arg10[%get3A_345] : memref<10240xf32, #tpu.memory_space<vmem>>[vector<16xi32>], vector<16xf32>,
      %gather3A_400 = tpu.vector_load_idx %arg11[%get3A_345] : memref<10240xi32, #tpu.memory_space<vmem>>[vector<16xi32>], vector<16xi32>,
      %gt3A_401 = arith.cmpf ogt, %get3A_349, %gather3A_399 : vector<16xf32>
      %eq3A_402 = arith.cmpf oeq, %get3A_349, %gather3A_399 : vector<16xf32>
      %gt3A_403 = arith.cmpi sgt, %add3A_354, %gather3A_400 : vector<16xi32>
      %and3A_404 = arith.andi %eq3A_402, %gt3A_403 : vector<16xi1>
      %or3A_405 = arith.ori %gt3A_401, %and3A_404 : vector<16xi1>
      %and3A_406 = arith.andi %eq3A_398, %or3A_405 : vector<16xi1>
      tpu.vector_store_idx %arg10[%get3A_345], %get3A_349 masked %and3A_406 : memref<10240xf32, #tpu.memory_space<vmem>>[vector<16xi32>], vector<16xf32>, vector<16xi1>
      tpu.vector_store_idx %arg11[%get3A_345], %add3A_354 masked %and3A_406 : memref<10240xi32, #tpu.memory_space<vmem>>[vector<16xi32>], vector<16xi32>, vector<16xi1>
      %not3A_407 = arith.constant dense<true> : vector<16xi1>
      %not3A_408 = arith.xori %eq3A_398, %not3A_407 : vector<16xi1>
      %and3A_409 = arith.andi %not3A_408, %or3A_405 : vector<16xi1>
      %eq3A_410 = arith.cmpi eq, %gather3A_395, %add3A_367 : vector<16xi32>
      %gather3A_411 = tpu.vector_load_idx %arg10[%get3A_358] : memref<10240xf32, #tpu.memory_space<vmem>>[vector<16xi32>], vector<16xf32>,
      %gather3A_412 = tpu.vector_load_idx %arg11[%get3A_358] : memref<10240xi32, #tpu.memory_space<vmem>>[vector<16xi32>], vector<16xi32>,
      %gt3A_413 = arith.cmpf ogt, %get3A_362, %gather3A_411 : vector<16xf32>
      %eq3A_414 = arith.cmpf oeq, %get3A_362, %gather3A_411 : vector<16xf32>
      %gt3A_415 = arith.cmpi sgt, %add3A_367, %gather3A_412 : vector<16xi32>
      %and3A_416 = arith.andi %eq3A_414, %gt3A_415 : vector<16xi1>
      %or3A_417 = arith.ori %gt3A_413, %and3A_416 : vector<16xi1>
      %and3A_418 = arith.andi %eq3A_410, %or3A_417 : vector<16xi1>
      tpu.vector_store_idx %arg10[%get3A_358], %get3A_362 masked %and3A_418 : memref<10240xf32, #tpu.memory_space<vmem>>[vector<16xi32>], vector<16xf32>, vector<16xi1>
      tpu.vector_store_idx %arg11[%get3A_358], %add3A_367 masked %and3A_418 : memref<10240xi32, #tpu.memory_space<vmem>>[vector<16xi32>], vector<16xi32>, vector<16xi1>
      %not3A_419 = arith.constant dense<true> : vector<16xi1>
      %not3A_420 = arith.xori %eq3A_410, %not3A_419 : vector<16xi1>
      %and3A_421 = arith.andi %not3A_420, %or3A_417 : vector<16xi1>
      %eq3A_422 = arith.cmpi eq, %gather3A_396, %add3A_380 : vector<16xi32>
      %gather3A_423 = tpu.vector_load_idx %arg10[%get3A_371] : memref<10240xf32, #tpu.memory_space<vmem>>[vector<16xi32>], vector<16xf32>,
      %gather3A_424 = tpu.vector_load_idx %arg11[%get3A_371] : memref<10240xi32, #tpu.memory_space<vmem>>[vector<16xi32>], vector<16xi32>,
      %gt3A_425 = arith.cmpf ogt, %get3A_375, %gather3A_423 : vector<16xf32>
      %eq3A_426 = arith.cmpf oeq, %get3A_375, %gather3A_423 : vector<16xf32>
      %gt3A_427 = arith.cmpi sgt, %add3A_380, %gather3A_424 : vector<16xi32>
      %and3A_428 = arith.andi %eq3A_426, %gt3A_427 : vector<16xi1>
      %or3A_429 = arith.ori %gt3A_425, %and3A_428 : vector<16xi1>
      %and3A_430 = arith.andi %eq3A_422, %or3A_429 : vector<16xi1>
      tpu.vector_store_idx %arg10[%get3A_371], %get3A_375 masked %and3A_430 : memref<10240xf32, #tpu.memory_space<vmem>>[vector<16xi32>], vector<16xf32>, vector<16xi1>
      tpu.vector_store_idx %arg11[%get3A_371], %add3A_380 masked %and3A_430 : memref<10240xi32, #tpu.memory_space<vmem>>[vector<16xi32>], vector<16xi32>, vector<16xi1>
      %not3A_431 = arith.constant dense<true> : vector<16xi1>
      %not3A_432 = arith.xori %eq3A_422, %not3A_431 : vector<16xi1>
      %and3A_433 = arith.andi %not3A_432, %or3A_429 : vector<16xi1>
      %eq3A_434 = arith.cmpi eq, %gather3A_397, %add3A_393 : vector<16xi32>
      %gather3A_435 = tpu.vector_load_idx %arg10[%get3A_384] : memref<10240xf32, #tpu.memory_space<vmem>>[vector<16xi32>], vector<16xf32>,
      %gather3A_436 = tpu.vector_load_idx %arg11[%get3A_384] : memref<10240xi32, #tpu.memory_space<vmem>>[vector<16xi32>], vector<16xi32>,
      %gt3A_437 = arith.cmpf ogt, %get3A_388, %gather3A_435 : vector<16xf32>
      %eq3A_438 = arith.cmpf oeq, %get3A_388, %gather3A_435 : vector<16xf32>
      %gt3A_439 = arith.cmpi sgt, %add3A_393, %gather3A_436 : vector<16xi32>
      %and3A_440 = arith.andi %eq3A_438, %gt3A_439 : vector<16xi1>
      %or3A_441 = arith.ori %gt3A_437, %and3A_440 : vector<16xi1>
      %and3A_442 = arith.andi %eq3A_434, %or3A_441 : vector<16xi1>
      tpu.vector_store_idx %arg10[%get3A_384], %get3A_388 masked %and3A_442 : memref<10240xf32, #tpu.memory_space<vmem>>[vector<16xi32>], vector<16xf32>, vector<16xi1>
      tpu.vector_store_idx %arg11[%get3A_384], %add3A_393 masked %and3A_442 : memref<10240xi32, #tpu.memory_space<vmem>>[vector<16xi32>], vector<16xi32>, vector<16xi1>
      %not3A_443 = arith.constant dense<true> : vector<16xi1>
      %not3A_444 = arith.xori %eq3A_434, %not3A_443 : vector<16xi1>
      %and3A_445 = arith.andi %not3A_444, %or3A_441 : vector<16xi1>
      %or3A_446 = arith.ori %and3A_409, %and3A_421 : vector<16xi1>
      %or3A_447 = arith.ori %or3A_446, %and3A_433 : vector<16xi1>
      %or3A_448 = arith.ori %or3A_447, %and3A_445 : vector<16xi1>
      %all_reduce_population_count3A_449 = tpu.all_reduce %or3A_448 {dim = 0 : i64, kind = #tpu.reduction_kind<sum>} : vector<16xi1> -> vector<16xi32>
      %slice3A_450 = vector.extract_strided_slice %all_reduce_population_count3A_449 {offsets = [0], sizes = [1], strides = [1]} : vector<16xi32> to vector<1xi32>
      %squeeze3A_451 = vector.extract %slice3A_450[0] : i32 from vector<1xi32>
      %gt3A_452 = arith.constant 0 : i32
      %gt3A_453 = arith.cmpi sgt, %squeeze3A_451, %gt3A_452 : i32
      %convert_element_type3A_454 = arith.extui %gt3A_453 : i1 to i32
      %cond3A_455 = arith.constant 0 : i32
      %cond3A_456 = arith.cmpi ne, %convert_element_type3A_454, %cond3A_455 : i32
      scf.if %cond3A_456 {
        %convert_element_type3A_457 = arith.extui %and3A_409 : vector<16xi1> to vector<16xi32>
        %while3A = scf.while (%while3A_464 = %convert_element_type3A_457) : (vector<16xi32>) -> vector<16xi32> {
          %gt3A_465 = arith.constant 0 : i32
          %gt3A_466 = vector.broadcast %gt3A_465 : i32 to vector<16xi32>
          %gt3A_467 = arith.cmpi sgt, %while3A_464, %gt3A_466 : vector<16xi32>
          %all_reduce_population_count3A_468 = tpu.all_reduce %gt3A_467 {dim = 0 : i64, kind = #tpu.reduction_kind<sum>} : vector<16xi1> -> vector<16xi32>
          %slice3A_469 = vector.extract_strided_slice %all_reduce_population_count3A_468 {offsets = [0], sizes = [1], strides = [1]} : vector<16xi32> to vector<1xi32>
          %squeeze3A_470 = vector.extract %slice3A_469[0] : i32 from vector<1xi32>
          %gt3A_471 = arith.constant 0 : i32
          %gt3A_472 = arith.cmpi sgt, %squeeze3A_470, %gt3A_471 : i32
          scf.condition(%gt3A_472) %while3A_464 : vector<16xi32>
        } do {
        ^bb0(%while3A_464: vector<16xi32>):
          %gt3A_465 = arith.constant 0 : i32
          %gt3A_466 = vector.broadcast %gt3A_465 : i32 to vector<16xi32>
          %gt3A_467 = arith.cmpi sgt, %while3A_464, %gt3A_466 : vector<16xi32>
          tpu.vector_store_idx %arg12[%get3A_345], %add3A_354 masked %gt3A_467 : memref<10240xi32, #tpu.memory_space<vmem>>[vector<16xi32>], vector<16xi32>, vector<16xi1>
          %gather3A_468 = tpu.vector_load_idx %arg12[%get3A_345] : memref<10240xi32, #tpu.memory_space<vmem>>[vector<16xi32>], vector<16xi32>,
          %eq3A_469 = arith.cmpi eq, %gather3A_468, %add3A_354 : vector<16xi32>
          %and3A_470 = arith.andi %gt3A_467, %eq3A_469 : vector<16xi1>
          %gather3A_471 = tpu.vector_load_idx %arg10[%get3A_345] : memref<10240xf32, #tpu.memory_space<vmem>>[vector<16xi32>], vector<16xf32>,
          %gather3A_472 = tpu.vector_load_idx %arg11[%get3A_345] : memref<10240xi32, #tpu.memory_space<vmem>>[vector<16xi32>], vector<16xi32>,
          %gt3A_473 = arith.cmpf ogt, %get3A_349, %gather3A_471 : vector<16xf32>
          %eq3A_474 = arith.cmpf oeq, %get3A_349, %gather3A_471 : vector<16xf32>
          %gt3A_475 = arith.cmpi sgt, %add3A_354, %gather3A_472 : vector<16xi32>
          %and3A_476 = arith.andi %eq3A_474, %gt3A_475 : vector<16xi1>
          %or3A_477 = arith.ori %gt3A_473, %and3A_476 : vector<16xi1>
          %and3A_478 = arith.andi %and3A_470, %or3A_477 : vector<16xi1>
          tpu.vector_store_idx %arg10[%get3A_345], %get3A_349 masked %and3A_478 : memref<10240xf32, #tpu.memory_space<vmem>>[vector<16xi32>], vector<16xf32>, vector<16xi1>
          tpu.vector_store_idx %arg11[%get3A_345], %add3A_354 masked %and3A_478 : memref<10240xi32, #tpu.memory_space<vmem>>[vector<16xi32>], vector<16xi32>, vector<16xi1>
          %not3A_479 = arith.constant dense<true> : vector<16xi1>
          %not3A_480 = arith.xori %and3A_470, %not3A_479 : vector<16xi1>
          %and3A_481 = arith.andi %gt3A_467, %not3A_480 : vector<16xi1>
          %and3A_482 = arith.andi %and3A_481, %or3A_477 : vector<16xi1>
          %convert_element_type3A_483 = arith.extui %and3A_482 : vector<16xi1> to vector<16xi32>
          scf.yield %convert_element_type3A_483 : vector<16xi32>
        }
        %convert_element_type3A_458 = arith.extui %and3A_421 : vector<16xi1> to vector<16xi32>
        %while3A_459 = scf.while (%while3A_464 = %convert_element_type3A_458) : (vector<16xi32>) -> vector<16xi32> {
          %gt3A_465 = arith.constant 0 : i32
          %gt3A_466 = vector.broadcast %gt3A_465 : i32 to vector<16xi32>
          %gt3A_467 = arith.cmpi sgt, %while3A_464, %gt3A_466 : vector<16xi32>
          %all_reduce_population_count3A_468 = tpu.all_reduce %gt3A_467 {dim = 0 : i64, kind = #tpu.reduction_kind<sum>} : vector<16xi1> -> vector<16xi32>
          %slice3A_469 = vector.extract_strided_slice %all_reduce_population_count3A_468 {offsets = [0], sizes = [1], strides = [1]} : vector<16xi32> to vector<1xi32>
          %squeeze3A_470 = vector.extract %slice3A_469[0] : i32 from vector<1xi32>
          %gt3A_471 = arith.constant 0 : i32
          %gt3A_472 = arith.cmpi sgt, %squeeze3A_470, %gt3A_471 : i32
          scf.condition(%gt3A_472) %while3A_464 : vector<16xi32>
        } do {
        ^bb0(%while3A_464: vector<16xi32>):
          %gt3A_465 = arith.constant 0 : i32
          %gt3A_466 = vector.broadcast %gt3A_465 : i32 to vector<16xi32>
          %gt3A_467 = arith.cmpi sgt, %while3A_464, %gt3A_466 : vector<16xi32>
          tpu.vector_store_idx %arg12[%get3A_358], %add3A_367 masked %gt3A_467 : memref<10240xi32, #tpu.memory_space<vmem>>[vector<16xi32>], vector<16xi32>, vector<16xi1>
          %gather3A_468 = tpu.vector_load_idx %arg12[%get3A_358] : memref<10240xi32, #tpu.memory_space<vmem>>[vector<16xi32>], vector<16xi32>,
          %eq3A_469 = arith.cmpi eq, %gather3A_468, %add3A_367 : vector<16xi32>
          %and3A_470 = arith.andi %gt3A_467, %eq3A_469 : vector<16xi1>
          %gather3A_471 = tpu.vector_load_idx %arg10[%get3A_358] : memref<10240xf32, #tpu.memory_space<vmem>>[vector<16xi32>], vector<16xf32>,
          %gather3A_472 = tpu.vector_load_idx %arg11[%get3A_358] : memref<10240xi32, #tpu.memory_space<vmem>>[vector<16xi32>], vector<16xi32>,
          %gt3A_473 = arith.cmpf ogt, %get3A_362, %gather3A_471 : vector<16xf32>
          %eq3A_474 = arith.cmpf oeq, %get3A_362, %gather3A_471 : vector<16xf32>
          %gt3A_475 = arith.cmpi sgt, %add3A_367, %gather3A_472 : vector<16xi32>
          %and3A_476 = arith.andi %eq3A_474, %gt3A_475 : vector<16xi1>
          %or3A_477 = arith.ori %gt3A_473, %and3A_476 : vector<16xi1>
          %and3A_478 = arith.andi %and3A_470, %or3A_477 : vector<16xi1>
          tpu.vector_store_idx %arg10[%get3A_358], %get3A_362 masked %and3A_478 : memref<10240xf32, #tpu.memory_space<vmem>>[vector<16xi32>], vector<16xf32>, vector<16xi1>
          tpu.vector_store_idx %arg11[%get3A_358], %add3A_367 masked %and3A_478 : memref<10240xi32, #tpu.memory_space<vmem>>[vector<16xi32>], vector<16xi32>, vector<16xi1>
          %not3A_479 = arith.constant dense<true> : vector<16xi1>
          %not3A_480 = arith.xori %and3A_470, %not3A_479 : vector<16xi1>
          %and3A_481 = arith.andi %gt3A_467, %not3A_480 : vector<16xi1>
          %and3A_482 = arith.andi %and3A_481, %or3A_477 : vector<16xi1>
          %convert_element_type3A_483 = arith.extui %and3A_482 : vector<16xi1> to vector<16xi32>
          scf.yield %convert_element_type3A_483 : vector<16xi32>
        }
        %convert_element_type3A_460 = arith.extui %and3A_433 : vector<16xi1> to vector<16xi32>
        %while3A_461 = scf.while (%while3A_464 = %convert_element_type3A_460) : (vector<16xi32>) -> vector<16xi32> {
          %gt3A_465 = arith.constant 0 : i32
          %gt3A_466 = vector.broadcast %gt3A_465 : i32 to vector<16xi32>
          %gt3A_467 = arith.cmpi sgt, %while3A_464, %gt3A_466 : vector<16xi32>
          %all_reduce_population_count3A_468 = tpu.all_reduce %gt3A_467 {dim = 0 : i64, kind = #tpu.reduction_kind<sum>} : vector<16xi1> -> vector<16xi32>
          %slice3A_469 = vector.extract_strided_slice %all_reduce_population_count3A_468 {offsets = [0], sizes = [1], strides = [1]} : vector<16xi32> to vector<1xi32>
          %squeeze3A_470 = vector.extract %slice3A_469[0] : i32 from vector<1xi32>
          %gt3A_471 = arith.constant 0 : i32
          %gt3A_472 = arith.cmpi sgt, %squeeze3A_470, %gt3A_471 : i32
          scf.condition(%gt3A_472) %while3A_464 : vector<16xi32>
        } do {
        ^bb0(%while3A_464: vector<16xi32>):
          %gt3A_465 = arith.constant 0 : i32
          %gt3A_466 = vector.broadcast %gt3A_465 : i32 to vector<16xi32>
          %gt3A_467 = arith.cmpi sgt, %while3A_464, %gt3A_466 : vector<16xi32>
          tpu.vector_store_idx %arg12[%get3A_371], %add3A_380 masked %gt3A_467 : memref<10240xi32, #tpu.memory_space<vmem>>[vector<16xi32>], vector<16xi32>, vector<16xi1>
          %gather3A_468 = tpu.vector_load_idx %arg12[%get3A_371] : memref<10240xi32, #tpu.memory_space<vmem>>[vector<16xi32>], vector<16xi32>,
          %eq3A_469 = arith.cmpi eq, %gather3A_468, %add3A_380 : vector<16xi32>
          %and3A_470 = arith.andi %gt3A_467, %eq3A_469 : vector<16xi1>
          %gather3A_471 = tpu.vector_load_idx %arg10[%get3A_371] : memref<10240xf32, #tpu.memory_space<vmem>>[vector<16xi32>], vector<16xf32>,
          %gather3A_472 = tpu.vector_load_idx %arg11[%get3A_371] : memref<10240xi32, #tpu.memory_space<vmem>>[vector<16xi32>], vector<16xi32>,
          %gt3A_473 = arith.cmpf ogt, %get3A_375, %gather3A_471 : vector<16xf32>
          %eq3A_474 = arith.cmpf oeq, %get3A_375, %gather3A_471 : vector<16xf32>
          %gt3A_475 = arith.cmpi sgt, %add3A_380, %gather3A_472 : vector<16xi32>
          %and3A_476 = arith.andi %eq3A_474, %gt3A_475 : vector<16xi1>
          %or3A_477 = arith.ori %gt3A_473, %and3A_476 : vector<16xi1>
          %and3A_478 = arith.andi %and3A_470, %or3A_477 : vector<16xi1>
          tpu.vector_store_idx %arg10[%get3A_371], %get3A_375 masked %and3A_478 : memref<10240xf32, #tpu.memory_space<vmem>>[vector<16xi32>], vector<16xf32>, vector<16xi1>
          tpu.vector_store_idx %arg11[%get3A_371], %add3A_380 masked %and3A_478 : memref<10240xi32, #tpu.memory_space<vmem>>[vector<16xi32>], vector<16xi32>, vector<16xi1>
          %not3A_479 = arith.constant dense<true> : vector<16xi1>
          %not3A_480 = arith.xori %and3A_470, %not3A_479 : vector<16xi1>
          %and3A_481 = arith.andi %gt3A_467, %not3A_480 : vector<16xi1>
          %and3A_482 = arith.andi %and3A_481, %or3A_477 : vector<16xi1>
          %convert_element_type3A_483 = arith.extui %and3A_482 : vector<16xi1> to vector<16xi32>
          scf.yield %convert_element_type3A_483 : vector<16xi32>
        }
        %convert_element_type3A_462 = arith.extui %and3A_445 : vector<16xi1> to vector<16xi32>
        %while3A_463 = scf.while (%while3A_464 = %convert_element_type3A_462) : (vector<16xi32>) -> vector<16xi32> {
          %gt3A_465 = arith.constant 0 : i32
          %gt3A_466 = vector.broadcast %gt3A_465 : i32 to vector<16xi32>
          %gt3A_467 = arith.cmpi sgt, %while3A_464, %gt3A_466 : vector<16xi32>
          %all_reduce_population_count3A_468 = tpu.all_reduce %gt3A_467 {dim = 0 : i64, kind = #tpu.reduction_kind<sum>} : vector<16xi1> -> vector<16xi32>
          %slice3A_469 = vector.extract_strided_slice %all_reduce_population_count3A_468 {offsets = [0], sizes = [1], strides = [1]} : vector<16xi32> to vector<1xi32>
          %squeeze3A_470 = vector.extract %slice3A_469[0] : i32 from vector<1xi32>
          %gt3A_471 = arith.constant 0 : i32
          %gt3A_472 = arith.cmpi sgt, %squeeze3A_470, %gt3A_471 : i32
          scf.condition(%gt3A_472) %while3A_464 : vector<16xi32>
        } do {
        ^bb0(%while3A_464: vector<16xi32>):
          %gt3A_465 = arith.constant 0 : i32
          %gt3A_466 = vector.broadcast %gt3A_465 : i32 to vector<16xi32>
          %gt3A_467 = arith.cmpi sgt, %while3A_464, %gt3A_466 : vector<16xi32>
          tpu.vector_store_idx %arg12[%get3A_384], %add3A_393 masked %gt3A_467 : memref<10240xi32, #tpu.memory_space<vmem>>[vector<16xi32>], vector<16xi32>, vector<16xi1>
          %gather3A_468 = tpu.vector_load_idx %arg12[%get3A_384] : memref<10240xi32, #tpu.memory_space<vmem>>[vector<16xi32>], vector<16xi32>,
          %eq3A_469 = arith.cmpi eq, %gather3A_468, %add3A_393 : vector<16xi32>
          %and3A_470 = arith.andi %gt3A_467, %eq3A_469 : vector<16xi1>
          %gather3A_471 = tpu.vector_load_idx %arg10[%get3A_384] : memref<10240xf32, #tpu.memory_space<vmem>>[vector<16xi32>], vector<16xf32>,
          %gather3A_472 = tpu.vector_load_idx %arg11[%get3A_384] : memref<10240xi32, #tpu.memory_space<vmem>>[vector<16xi32>], vector<16xi32>,
          %gt3A_473 = arith.cmpf ogt, %get3A_388, %gather3A_471 : vector<16xf32>
          %eq3A_474 = arith.cmpf oeq, %get3A_388, %gather3A_471 : vector<16xf32>
          %gt3A_475 = arith.cmpi sgt, %add3A_393, %gather3A_472 : vector<16xi32>
          %and3A_476 = arith.andi %eq3A_474, %gt3A_475 : vector<16xi1>
          %or3A_477 = arith.ori %gt3A_473, %and3A_476 : vector<16xi1>
          %and3A_478 = arith.andi %and3A_470, %or3A_477 : vector<16xi1>
          tpu.vector_store_idx %arg10[%get3A_384], %get3A_388 masked %and3A_478 : memref<10240xf32, #tpu.memory_space<vmem>>[vector<16xi32>], vector<16xf32>, vector<16xi1>
          tpu.vector_store_idx %arg11[%get3A_384], %add3A_393 masked %and3A_478 : memref<10240xi32, #tpu.memory_space<vmem>>[vector<16xi32>], vector<16xi32>, vector<16xi1>
          %not3A_479 = arith.constant dense<true> : vector<16xi1>
          %not3A_480 = arith.xori %and3A_470, %not3A_479 : vector<16xi1>
          %and3A_481 = arith.andi %gt3A_467, %not3A_480 : vector<16xi1>
          %and3A_482 = arith.andi %and3A_481, %or3A_477 : vector<16xi1>
          %convert_element_type3A_483 = arith.extui %and3A_482 : vector<16xi1> to vector<16xi32>
          scf.yield %convert_element_type3A_483 : vector<16xi32>
        }
      } else {
      }
    }
    %scan3A_12 = arith.constant 156 : i32
    %get3A = arith.constant 9984 : index
    %get3A_13 = tpu.vector_load %arg8[%get3A] {strides = array<i32>} : memref<10000xi32, #tpu.memory_space<vmem>>, vector<16xi32>,
    %get3A_14 = arith.constant 9984 : index
    %get3A_15 = tpu.vector_load %arg9[%get3A_14] {strides = array<i32>} : memref<10000xf32, #tpu.memory_space<vmem>>, vector<16xf32>,
    %add3A = arith.constant 9984 : i32
    %add3A_16 = arith.addi %mul3A_0, %add3A : i32
    %add3A_17 = vector.broadcast %add3A_16 : i32 to vector<16xi32>
    %add3A_18 = arith.addi %add3A_17, %iota3A : vector<16xi32>
    tpu.vector_store_idx %arg12[%get3A_13], %add3A_18 masked %ge3A_8 : memref<10240xi32, #tpu.memory_space<vmem>>[vector<16xi32>], vector<16xi32>, vector<16xi1>
    %gather3A = tpu.vector_load_idx %arg12[%get3A_13] : memref<10240xi32, #tpu.memory_space<vmem>>[vector<16xi32>], vector<16xi32>,
    %eq3A = arith.cmpi eq, %gather3A, %add3A_18 : vector<16xi32>
    %and3A = arith.andi %ge3A_8, %eq3A : vector<16xi1>
    %gather3A_19 = tpu.vector_load_idx %arg10[%get3A_13] : memref<10240xf32, #tpu.memory_space<vmem>>[vector<16xi32>], vector<16xf32>,
    %gather3A_20 = tpu.vector_load_idx %arg11[%get3A_13] : memref<10240xi32, #tpu.memory_space<vmem>>[vector<16xi32>], vector<16xi32>,
    %gt3A = arith.cmpf ogt, %get3A_15, %gather3A_19 : vector<16xf32>
    %eq3A_21 = arith.cmpf oeq, %get3A_15, %gather3A_19 : vector<16xf32>
    %gt3A_22 = arith.cmpi sgt, %add3A_18, %gather3A_20 : vector<16xi32>
    %and3A_23 = arith.andi %eq3A_21, %gt3A_22 : vector<16xi1>
    %or3A = arith.ori %gt3A, %and3A_23 : vector<16xi1>
    %and3A_24 = arith.andi %and3A, %or3A : vector<16xi1>
    tpu.vector_store_idx %arg10[%get3A_13], %get3A_15 masked %and3A_24 : memref<10240xf32, #tpu.memory_space<vmem>>[vector<16xi32>], vector<16xf32>, vector<16xi1>
    tpu.vector_store_idx %arg11[%get3A_13], %add3A_18 masked %and3A_24 : memref<10240xi32, #tpu.memory_space<vmem>>[vector<16xi32>], vector<16xi32>, vector<16xi1>
    %not3A = arith.constant dense<true> : vector<16xi1>
    %not3A_25 = arith.xori %and3A, %not3A : vector<16xi1>
    %and3A_26 = arith.andi %ge3A_8, %not3A_25 : vector<16xi1>
    %and3A_27 = arith.andi %and3A_26, %or3A : vector<16xi1>
    %all_reduce_population_count3A = tpu.all_reduce %and3A_27 {dim = 0 : i64, kind = #tpu.reduction_kind<sum>} : vector<16xi1> -> vector<16xi32>
    %slice3A = vector.extract_strided_slice %all_reduce_population_count3A {offsets = [0], sizes = [1], strides = [1]} : vector<16xi32> to vector<1xi32>
    %squeeze3A = vector.extract %slice3A[0] : i32 from vector<1xi32>
    %gt3A_28 = arith.constant 0 : i32
    %gt3A_29 = arith.cmpi sgt, %squeeze3A, %gt3A_28 : i32
    %convert_element_type3A = arith.extui %gt3A_29 : i1 to i32
    %cond3A = arith.constant 0 : i32
    %cond3A_30 = arith.cmpi ne, %convert_element_type3A, %cond3A : i32
    scf.if %cond3A_30 {
      %convert_element_type3A_339 = arith.extui %and3A_27 : vector<16xi1> to vector<16xi32>
      %while3A = scf.while (%while3A_340 = %convert_element_type3A_339) : (vector<16xi32>) -> vector<16xi32> {
        %gt3A_341 = arith.constant 0 : i32
        %gt3A_342 = vector.broadcast %gt3A_341 : i32 to vector<16xi32>
        %gt3A_343 = arith.cmpi sgt, %while3A_340, %gt3A_342 : vector<16xi32>
        %all_reduce_population_count3A_344 = tpu.all_reduce %gt3A_343 {dim = 0 : i64, kind = #tpu.reduction_kind<sum>} : vector<16xi1> -> vector<16xi32>
        %slice3A_345 = vector.extract_strided_slice %all_reduce_population_count3A_344 {offsets = [0], sizes = [1], strides = [1]} : vector<16xi32> to vector<1xi32>
        %squeeze3A_346 = vector.extract %slice3A_345[0] : i32 from vector<1xi32>
        %gt3A_347 = arith.constant 0 : i32
        %gt3A_348 = arith.cmpi sgt, %squeeze3A_346, %gt3A_347 : i32
        scf.condition(%gt3A_348) %while3A_340 : vector<16xi32>
      } do {
      ^bb0(%while3A_340: vector<16xi32>):
        %gt3A_341 = arith.constant 0 : i32
        %gt3A_342 = vector.broadcast %gt3A_341 : i32 to vector<16xi32>
        %gt3A_343 = arith.cmpi sgt, %while3A_340, %gt3A_342 : vector<16xi32>
        tpu.vector_store_idx %arg12[%get3A_13], %add3A_18 masked %gt3A_343 : memref<10240xi32, #tpu.memory_space<vmem>>[vector<16xi32>], vector<16xi32>, vector<16xi1>
        %gather3A_344 = tpu.vector_load_idx %arg12[%get3A_13] : memref<10240xi32, #tpu.memory_space<vmem>>[vector<16xi32>], vector<16xi32>,
        %eq3A_345 = arith.cmpi eq, %gather3A_344, %add3A_18 : vector<16xi32>
        %and3A_346 = arith.andi %gt3A_343, %eq3A_345 : vector<16xi1>
        %gather3A_347 = tpu.vector_load_idx %arg10[%get3A_13] : memref<10240xf32, #tpu.memory_space<vmem>>[vector<16xi32>], vector<16xf32>,
        %gather3A_348 = tpu.vector_load_idx %arg11[%get3A_13] : memref<10240xi32, #tpu.memory_space<vmem>>[vector<16xi32>], vector<16xi32>,
        %gt3A_349 = arith.cmpf ogt, %get3A_15, %gather3A_347 : vector<16xf32>
        %eq3A_350 = arith.cmpf oeq, %get3A_15, %gather3A_347 : vector<16xf32>
        %gt3A_351 = arith.cmpi sgt, %add3A_18, %gather3A_348 : vector<16xi32>
        %and3A_352 = arith.andi %eq3A_350, %gt3A_351 : vector<16xi1>
        %or3A_353 = arith.ori %gt3A_349, %and3A_352 : vector<16xi1>
        %and3A_354 = arith.andi %and3A_346, %or3A_353 : vector<16xi1>
        tpu.vector_store_idx %arg10[%get3A_13], %get3A_15 masked %and3A_354 : memref<10240xf32, #tpu.memory_space<vmem>>[vector<16xi32>], vector<16xf32>, vector<16xi1>
        tpu.vector_store_idx %arg11[%get3A_13], %add3A_18 masked %and3A_354 : memref<10240xi32, #tpu.memory_space<vmem>>[vector<16xi32>], vector<16xi32>, vector<16xi1>
        %not3A_355 = arith.constant dense<true> : vector<16xi1>
        %not3A_356 = arith.xori %and3A_346, %not3A_355 : vector<16xi1>
        %and3A_357 = arith.andi %gt3A_343, %not3A_356 : vector<16xi1>
        %and3A_358 = arith.andi %and3A_357, %or3A_353 : vector<16xi1>
        %convert_element_type3A_359 = arith.extui %and3A_358 : vector<16xi1> to vector<16xi32>
        scf.yield %convert_element_type3A_359 : vector<16xi32>
      }
    } else {
    }
    "tpu.region"() ({
      %run_scoped3A = tpu.sem_alloc : memref<!tpu.dma_semaphore, #tpu.memory_space<semaphore_mem>>
      %dma_start3A_339 = arith.constant 0 : i32
      %dma_start3A_340 = tpu.memref_slice %arg23[%arg1, %dma_start3A_339] : memref<16x10240xf32, #tpu.memory_space<vmem_shared>> -> memref<1x10240xf32, #tpu.memory_space<vmem_shared>>
      %dma_start3A_341 = tpu.memref_squeeze %dma_start3A_340 : memref<1x10240xf32, #tpu.memory_space<vmem_shared>> -> memref<10240xf32, #tpu.memory_space<vmem_shared>>
      %dma_start3A_342 = arith.constant 0 : i32
      %dma_start3A_343 = tpu.memref_slice %arg23[%arg1, %dma_start3A_342] : memref<16x10240xf32, #tpu.memory_space<vmem_shared>> -> memref<1x10240xf32, #tpu.memory_space<vmem_shared>>
      %dma_start3A_344 = tpu.memref_squeeze %dma_start3A_343 : memref<1x10240xf32, #tpu.memory_space<vmem_shared>> -> memref<10240xf32, #tpu.memory_space<vmem_shared>>
      tpu.enqueue_dma source(%arg10 : memref<10240xf32, #tpu.memory_space<vmem>>) target(%dma_start3A_344 : memref<10240xf32, #tpu.memory_space<vmem_shared>>) target_semaphore(%run_scoped3A : memref<!tpu.dma_semaphore, #tpu.memory_space<semaphore_mem>>)
      %dma_wait3A_345 = arith.constant 0 : i32
      %dma_wait3A_346 = tpu.memref_slice %arg23[%arg1, %dma_wait3A_345] : memref<16x10240xf32, #tpu.memory_space<vmem_shared>> -> memref<1x10240xf32, #tpu.memory_space<vmem_shared>>
      %dma_wait3A_347 = tpu.memref_squeeze %dma_wait3A_346 : memref<1x10240xf32, #tpu.memory_space<vmem_shared>> -> memref<10240xf32, #tpu.memory_space<vmem_shared>>
      %dma_wait3A_348 = arith.constant 0 : i32
      %dma_wait3A_349 = tpu.memref_slice %arg23[%arg1, %dma_wait3A_348] : memref<16x10240xf32, #tpu.memory_space<vmem_shared>> -> memref<1x10240xf32, #tpu.memory_space<vmem_shared>>
      %dma_wait3A_350 = tpu.memref_squeeze %dma_wait3A_349 : memref<1x10240xf32, #tpu.memory_space<vmem_shared>> -> memref<10240xf32, #tpu.memory_space<vmem_shared>>
      tpu.wait_dma2 semaphore(%run_scoped3A : memref<!tpu.dma_semaphore, #tpu.memory_space<semaphore_mem>>) src(%arg10 : memref<10240xf32, #tpu.memory_space<vmem>>) dst(%dma_wait3A_350 : memref<10240xf32, #tpu.memory_space<vmem_shared>>)
      tpu.yield
    }) : () -> ()
    "tpu.region"() ({
      %run_scoped3A = tpu.sem_alloc : memref<!tpu.dma_semaphore, #tpu.memory_space<semaphore_mem>>
      %dma_start3A_339 = arith.constant 0 : i32
      %dma_start3A_340 = tpu.memref_slice %arg24[%arg1, %dma_start3A_339] : memref<16x10240xi32, #tpu.memory_space<vmem_shared>> -> memref<1x10240xi32, #tpu.memory_space<vmem_shared>>
      %dma_start3A_341 = tpu.memref_squeeze %dma_start3A_340 : memref<1x10240xi32, #tpu.memory_space<vmem_shared>> -> memref<10240xi32, #tpu.memory_space<vmem_shared>>
      %dma_start3A_342 = arith.constant 0 : i32
      %dma_start3A_343 = tpu.memref_slice %arg24[%arg1, %dma_start3A_342] : memref<16x10240xi32, #tpu.memory_space<vmem_shared>> -> memref<1x10240xi32, #tpu.memory_space<vmem_shared>>
      %dma_start3A_344 = tpu.memref_squeeze %dma_start3A_343 : memref<1x10240xi32, #tpu.memory_space<vmem_shared>> -> memref<10240xi32, #tpu.memory_space<vmem_shared>>
      tpu.enqueue_dma source(%arg11 : memref<10240xi32, #tpu.memory_space<vmem>>) target(%dma_start3A_344 : memref<10240xi32, #tpu.memory_space<vmem_shared>>) target_semaphore(%run_scoped3A : memref<!tpu.dma_semaphore, #tpu.memory_space<semaphore_mem>>)
      %dma_wait3A_345 = arith.constant 0 : i32
      %dma_wait3A_346 = tpu.memref_slice %arg24[%arg1, %dma_wait3A_345] : memref<16x10240xi32, #tpu.memory_space<vmem_shared>> -> memref<1x10240xi32, #tpu.memory_space<vmem_shared>>
      %dma_wait3A_347 = tpu.memref_squeeze %dma_wait3A_346 : memref<1x10240xi32, #tpu.memory_space<vmem_shared>> -> memref<10240xi32, #tpu.memory_space<vmem_shared>>
      %dma_wait3A_348 = arith.constant 0 : i32
      %dma_wait3A_349 = tpu.memref_slice %arg24[%arg1, %dma_wait3A_348] : memref<16x10240xi32, #tpu.memory_space<vmem_shared>> -> memref<1x10240xi32, #tpu.memory_space<vmem_shared>>
      %dma_wait3A_350 = tpu.memref_squeeze %dma_wait3A_349 : memref<1x10240xi32, #tpu.memory_space<vmem_shared>> -> memref<10240xi32, #tpu.memory_space<vmem_shared>>
      tpu.wait_dma2 semaphore(%run_scoped3A : memref<!tpu.dma_semaphore, #tpu.memory_space<semaphore_mem>>) src(%arg11 : memref<10240xi32, #tpu.memory_space<vmem>>) dst(%dma_wait3A_350 : memref<10240xi32, #tpu.memory_space<vmem_shared>>)
      tpu.yield
    }) : () -> ()
    %barrier3A = arith.constant 0 : index
    tpu.barrier barrier_id(%barrier3A)
    %mul3A_31 = arith.constant 640 : i32
    %mul3A_32 = arith.muli %arg1, %mul3A_31 : i32
    %mul3A_33 = arith.constant 256 : i32
    %mul3A_34 = arith.muli %arg0, %mul3A_33 : i32
    %add3A_35 = arith.addi %mul3A_32, %mul3A_34 : i32
    "tpu.region"() ({
      %run_scoped3A = tpu.sem_alloc : memref<!tpu.dma_semaphore, #tpu.memory_space<semaphore_mem>>
      %dma_start3A_339 = arith.constant 0 : i32
      %dma_start3A_340 = tpu.memref_slice %arg23[%dma_start3A_339, %add3A_35] : memref<16x10240xf32, #tpu.memory_space<vmem_shared>> -> memref<16x384xf32, #tpu.memory_space<vmem_shared>>
      %dma_start3A_341 = arith.constant 0 : i32
      %dma_start3A_342 = tpu.memref_slice %arg23[%dma_start3A_341, %add3A_35] : memref<16x10240xf32, #tpu.memory_space<vmem_shared>> -> memref<16x384xf32, #tpu.memory_space<vmem_shared>>
      tpu.enqueue_dma source(%dma_start3A_342 : memref<16x384xf32, #tpu.memory_space<vmem_shared>>) target(%arg13 : memref<16x384xf32, #tpu.memory_space<vmem>>) target_semaphore(%run_scoped3A : memref<!tpu.dma_semaphore, #tpu.memory_space<semaphore_mem>>)
      %dma_wait3A_343 = arith.constant 0 : i32
      %dma_wait3A_344 = tpu.memref_slice %arg23[%dma_wait3A_343, %add3A_35] : memref<16x10240xf32, #tpu.memory_space<vmem_shared>> -> memref<16x384xf32, #tpu.memory_space<vmem_shared>>
      %dma_wait3A_345 = arith.constant 0 : i32
      %dma_wait3A_346 = tpu.memref_slice %arg23[%dma_wait3A_345, %add3A_35] : memref<16x10240xf32, #tpu.memory_space<vmem_shared>> -> memref<16x384xf32, #tpu.memory_space<vmem_shared>>
      tpu.wait_dma2 semaphore(%run_scoped3A : memref<!tpu.dma_semaphore, #tpu.memory_space<semaphore_mem>>) src(%dma_wait3A_346 : memref<16x384xf32, #tpu.memory_space<vmem_shared>>) dst(%arg13 : memref<16x384xf32, #tpu.memory_space<vmem>>)
      tpu.yield
    }) : () -> ()
    "tpu.region"() ({
      %run_scoped3A = tpu.sem_alloc : memref<!tpu.dma_semaphore, #tpu.memory_space<semaphore_mem>>
      %dma_start3A_339 = arith.constant 0 : i32
      %dma_start3A_340 = tpu.memref_slice %arg24[%dma_start3A_339, %add3A_35] : memref<16x10240xi32, #tpu.memory_space<vmem_shared>> -> memref<16x384xi32, #tpu.memory_space<vmem_shared>>
      %dma_start3A_341 = arith.constant 0 : i32
      %dma_start3A_342 = tpu.memref_slice %arg24[%dma_start3A_341, %add3A_35] : memref<16x10240xi32, #tpu.memory_space<vmem_shared>> -> memref<16x384xi32, #tpu.memory_space<vmem_shared>>
      tpu.enqueue_dma source(%dma_start3A_342 : memref<16x384xi32, #tpu.memory_space<vmem_shared>>) target(%arg14 : memref<16x384xi32, #tpu.memory_space<vmem>>) target_semaphore(%run_scoped3A : memref<!tpu.dma_semaphore, #tpu.memory_space<semaphore_mem>>)
      %dma_wait3A_343 = arith.constant 0 : i32
      %dma_wait3A_344 = tpu.memref_slice %arg24[%dma_wait3A_343, %add3A_35] : memref<16x10240xi32, #tpu.memory_space<vmem_shared>> -> memref<16x384xi32, #tpu.memory_space<vmem_shared>>
      %dma_wait3A_345 = arith.constant 0 : i32
      %dma_wait3A_346 = tpu.memref_slice %arg24[%dma_wait3A_345, %add3A_35] : memref<16x10240xi32, #tpu.memory_space<vmem_shared>> -> memref<16x384xi32, #tpu.memory_space<vmem_shared>>
      tpu.wait_dma2 semaphore(%run_scoped3A : memref<!tpu.dma_semaphore, #tpu.memory_space<semaphore_mem>>) src(%dma_wait3A_346 : memref<16x384xi32, #tpu.memory_space<vmem_shared>>) dst(%arg14 : memref<16x384xi32, #tpu.memory_space<vmem>>)
      tpu.yield
    }) : () -> ()
    %mul3A_36 = arith.constant 64 : i32
    %mul3A_37 = arith.muli %arg0, %mul3A_36 : i32
    %scan3A_38 = arith.constant 0 : i32
    %scan3A_39 = arith.constant 20 : i32
    %scan3A_40 = arith.addi %scan3A_38, %scan3A_39 : i32
    %scan3A_41 = arith.constant 1 : i32
    scf.for %scan3A_339 = %scan3A_38 to %scan3A_40 step %scan3A_41  : i32 {
      %mul3A_340 = arith.constant 16 : i32
      %mul3A_341 = arith.muli %scan3A_339, %mul3A_340 : i32
      %add3A_342 = arith.addi %mul3A_37, %mul3A_341 : i32
      %get3A_343 = arith.constant 0 : i32
      %get3A_344 = arith.index_cast %get3A_343 : i32 to index
      %get3A_345 = arith.index_cast %add3A_342 : i32 to index
      %get3A_346 = tpu.vector_load %arg13[%get3A_344, %get3A_345] {strides = array<i32>} : memref<16x384xf32, #tpu.memory_space<vmem>>, vector<16xf32>,
      %mul3A_347 = arith.constant 16 : i32
      %mul3A_348 = arith.muli %scan3A_339, %mul3A_347 : i32
      %add3A_349 = arith.addi %mul3A_37, %mul3A_348 : i32
      %get3A_350 = arith.constant 0 : i32
      %get3A_351 = arith.index_cast %get3A_350 : i32 to index
      %get3A_352 = arith.index_cast %add3A_349 : i32 to index
      %get3A_353 = tpu.vector_load %arg14[%get3A_351, %get3A_352] {strides = array<i32>} : memref<16x384xi32, #tpu.memory_space<vmem>>, vector<16xi32>,
      %mul3A_354 = arith.constant 16 : i32
      %mul3A_355 = arith.muli %scan3A_339, %mul3A_354 : i32
      %add3A_356 = arith.addi %mul3A_37, %mul3A_355 : i32
      %get3A_357 = arith.constant 1 : i32
      %get3A_358 = arith.index_cast %get3A_357 : i32 to index
      %get3A_359 = arith.index_cast %add3A_356 : i32 to index
      %get3A_360 = tpu.vector_load %arg13[%get3A_358, %get3A_359] {strides = array<i32>} : memref<16x384xf32, #tpu.memory_space<vmem>>, vector<16xf32>,
      %mul3A_361 = arith.constant 16 : i32
      %mul3A_362 = arith.muli %scan3A_339, %mul3A_361 : i32
      %add3A_363 = arith.addi %mul3A_37, %mul3A_362 : i32
      %get3A_364 = arith.constant 1 : i32
      %get3A_365 = arith.index_cast %get3A_364 : i32 to index
      %get3A_366 = arith.index_cast %add3A_363 : i32 to index
      %get3A_367 = tpu.vector_load %arg14[%get3A_365, %get3A_366] {strides = array<i32>} : memref<16x384xi32, #tpu.memory_space<vmem>>, vector<16xi32>,
      %gt3A_368 = arith.cmpf ogt, %get3A_360, %get3A_346 : vector<16xf32>
      %eq3A_369 = arith.cmpf oeq, %get3A_360, %get3A_346 : vector<16xf32>
      %gt3A_370 = arith.cmpi sgt, %get3A_367, %get3A_353 : vector<16xi32>
      %and3A_371 = arith.andi %eq3A_369, %gt3A_370 : vector<16xi1>
      %or3A_372 = arith.ori %gt3A_368, %and3A_371 : vector<16xi1>
      %select_n3A = arith.select %or3A_372, %get3A_360, %get3A_346 : vector<16xi1>, vector<16xf32>
      %select_n3A_373 = arith.select %or3A_372, %get3A_367, %get3A_353 : vector<16xi1>, vector<16xi32>
      %mul3A_374 = arith.constant 16 : i32
      %mul3A_375 = arith.muli %scan3A_339, %mul3A_374 : i32
      %add3A_376 = arith.addi %mul3A_37, %mul3A_375 : i32
      %get3A_377 = arith.constant 2 : i32
      %get3A_378 = arith.index_cast %get3A_377 : i32 to index
      %get3A_379 = arith.index_cast %add3A_376 : i32 to index
      %get3A_380 = tpu.vector_load %arg13[%get3A_378, %get3A_379] {strides = array<i32>} : memref<16x384xf32, #tpu.memory_space<vmem>>, vector<16xf32>,
      %mul3A_381 = arith.constant 16 : i32
      %mul3A_382 = arith.muli %scan3A_339, %mul3A_381 : i32
      %add3A_383 = arith.addi %mul3A_37, %mul3A_382 : i32
      %get3A_384 = arith.constant 2 : i32
      %get3A_385 = arith.index_cast %get3A_384 : i32 to index
      %get3A_386 = arith.index_cast %add3A_383 : i32 to index
      %get3A_387 = tpu.vector_load %arg14[%get3A_385, %get3A_386] {strides = array<i32>} : memref<16x384xi32, #tpu.memory_space<vmem>>, vector<16xi32>,
      %gt3A_388 = arith.cmpf ogt, %get3A_380, %select_n3A : vector<16xf32>
      %eq3A_389 = arith.cmpf oeq, %get3A_380, %select_n3A : vector<16xf32>
      %gt3A_390 = arith.cmpi sgt, %get3A_387, %select_n3A_373 : vector<16xi32>
      %and3A_391 = arith.andi %eq3A_389, %gt3A_390 : vector<16xi1>
      %or3A_392 = arith.ori %gt3A_388, %and3A_391 : vector<16xi1>
      %select_n3A_393 = arith.select %or3A_392, %get3A_380, %select_n3A : vector<16xi1>, vector<16xf32>
      %select_n3A_394 = arith.select %or3A_392, %get3A_387, %select_n3A_373 : vector<16xi1>, vector<16xi32>
      %mul3A_395 = arith.constant 16 : i32
      %mul3A_396 = arith.muli %scan3A_339, %mul3A_395 : i32
      %add3A_397 = arith.addi %mul3A_37, %mul3A_396 : i32
      %get3A_398 = arith.constant 3 : i32
      %get3A_399 = arith.index_cast %get3A_398 : i32 to index
      %get3A_400 = arith.index_cast %add3A_397 : i32 to index
      %get3A_401 = tpu.vector_load %arg13[%get3A_399, %get3A_400] {strides = array<i32>} : memref<16x384xf32, #tpu.memory_space<vmem>>, vector<16xf32>,
      %mul3A_402 = arith.constant 16 : i32
      %mul3A_403 = arith.muli %scan3A_339, %mul3A_402 : i32
      %add3A_404 = arith.addi %mul3A_37, %mul3A_403 : i32
      %get3A_405 = arith.constant 3 : i32
      %get3A_406 = arith.index_cast %get3A_405 : i32 to index
      %get3A_407 = arith.index_cast %add3A_404 : i32 to index
      %get3A_408 = tpu.vector_load %arg14[%get3A_406, %get3A_407] {strides = array<i32>} : memref<16x384xi32, #tpu.memory_space<vmem>>, vector<16xi32>,
      %gt3A_409 = arith.cmpf ogt, %get3A_401, %select_n3A_393 : vector<16xf32>
      %eq3A_410 = arith.cmpf oeq, %get3A_401, %select_n3A_393 : vector<16xf32>
      %gt3A_411 = arith.cmpi sgt, %get3A_408, %select_n3A_394 : vector<16xi32>
      %and3A_412 = arith.andi %eq3A_410, %gt3A_411 : vector<16xi1>
      %or3A_413 = arith.ori %gt3A_409, %and3A_412 : vector<16xi1>
      %select_n3A_414 = arith.select %or3A_413, %get3A_401, %select_n3A_393 : vector<16xi1>, vector<16xf32>
      %select_n3A_415 = arith.select %or3A_413, %get3A_408, %select_n3A_394 : vector<16xi1>, vector<16xi32>
      %mul3A_416 = arith.constant 16 : i32
      %mul3A_417 = arith.muli %scan3A_339, %mul3A_416 : i32
      %add3A_418 = arith.addi %mul3A_37, %mul3A_417 : i32
      %get3A_419 = arith.constant 4 : i32
      %get3A_420 = arith.index_cast %get3A_419 : i32 to index
      %get3A_421 = arith.index_cast %add3A_418 : i32 to index
      %get3A_422 = tpu.vector_load %arg13[%get3A_420, %get3A_421] {strides = array<i32>} : memref<16x384xf32, #tpu.memory_space<vmem>>, vector<16xf32>,
      %mul3A_423 = arith.constant 16 : i32
      %mul3A_424 = arith.muli %scan3A_339, %mul3A_423 : i32
      %add3A_425 = arith.addi %mul3A_37, %mul3A_424 : i32
      %get3A_426 = arith.constant 4 : i32
      %get3A_427 = arith.index_cast %get3A_426 : i32 to index
      %get3A_428 = arith.index_cast %add3A_425 : i32 to index
      %get3A_429 = tpu.vector_load %arg14[%get3A_427, %get3A_428] {strides = array<i32>} : memref<16x384xi32, #tpu.memory_space<vmem>>, vector<16xi32>,
      %gt3A_430 = arith.cmpf ogt, %get3A_422, %select_n3A_414 : vector<16xf32>
      %eq3A_431 = arith.cmpf oeq, %get3A_422, %select_n3A_414 : vector<16xf32>
      %gt3A_432 = arith.cmpi sgt, %get3A_429, %select_n3A_415 : vector<16xi32>
      %and3A_433 = arith.andi %eq3A_431, %gt3A_432 : vector<16xi1>
      %or3A_434 = arith.ori %gt3A_430, %and3A_433 : vector<16xi1>
      %select_n3A_435 = arith.select %or3A_434, %get3A_422, %select_n3A_414 : vector<16xi1>, vector<16xf32>
      %select_n3A_436 = arith.select %or3A_434, %get3A_429, %select_n3A_415 : vector<16xi1>, vector<16xi32>
      %mul3A_437 = arith.constant 16 : i32
      %mul3A_438 = arith.muli %scan3A_339, %mul3A_437 : i32
      %add3A_439 = arith.addi %mul3A_37, %mul3A_438 : i32
      %get3A_440 = arith.constant 5 : i32
      %get3A_441 = arith.index_cast %get3A_440 : i32 to index
      %get3A_442 = arith.index_cast %add3A_439 : i32 to index
      %get3A_443 = tpu.vector_load %arg13[%get3A_441, %get3A_442] {strides = array<i32>} : memref<16x384xf32, #tpu.memory_space<vmem>>, vector<16xf32>,
      %mul3A_444 = arith.constant 16 : i32
      %mul3A_445 = arith.muli %scan3A_339, %mul3A_444 : i32
      %add3A_446 = arith.addi %mul3A_37, %mul3A_445 : i32
      %get3A_447 = arith.constant 5 : i32
      %get3A_448 = arith.index_cast %get3A_447 : i32 to index
      %get3A_449 = arith.index_cast %add3A_446 : i32 to index
      %get3A_450 = tpu.vector_load %arg14[%get3A_448, %get3A_449] {strides = array<i32>} : memref<16x384xi32, #tpu.memory_space<vmem>>, vector<16xi32>,
      %gt3A_451 = arith.cmpf ogt, %get3A_443, %select_n3A_435 : vector<16xf32>
      %eq3A_452 = arith.cmpf oeq, %get3A_443, %select_n3A_435 : vector<16xf32>
      %gt3A_453 = arith.cmpi sgt, %get3A_450, %select_n3A_436 : vector<16xi32>
      %and3A_454 = arith.andi %eq3A_452, %gt3A_453 : vector<16xi1>
      %or3A_455 = arith.ori %gt3A_451, %and3A_454 : vector<16xi1>
      %select_n3A_456 = arith.select %or3A_455, %get3A_443, %select_n3A_435 : vector<16xi1>, vector<16xf32>
      %select_n3A_457 = arith.select %or3A_455, %get3A_450, %select_n3A_436 : vector<16xi1>, vector<16xi32>
      %mul3A_458 = arith.constant 16 : i32
      %mul3A_459 = arith.muli %scan3A_339, %mul3A_458 : i32
      %add3A_460 = arith.addi %mul3A_37, %mul3A_459 : i32
      %get3A_461 = arith.constant 6 : i32
      %get3A_462 = arith.index_cast %get3A_461 : i32 to index
      %get3A_463 = arith.index_cast %add3A_460 : i32 to index
      %get3A_464 = tpu.vector_load %arg13[%get3A_462, %get3A_463] {strides = array<i32>} : memref<16x384xf32, #tpu.memory_space<vmem>>, vector<16xf32>,
      %mul3A_465 = arith.constant 16 : i32
      %mul3A_466 = arith.muli %scan3A_339, %mul3A_465 : i32
      %add3A_467 = arith.addi %mul3A_37, %mul3A_466 : i32
      %get3A_468 = arith.constant 6 : i32
      %get3A_469 = arith.index_cast %get3A_468 : i32 to index
      %get3A_470 = arith.index_cast %add3A_467 : i32 to index
      %get3A_471 = tpu.vector_load %arg14[%get3A_469, %get3A_470] {strides = array<i32>} : memref<16x384xi32, #tpu.memory_space<vmem>>, vector<16xi32>,
      %gt3A_472 = arith.cmpf ogt, %get3A_464, %select_n3A_456 : vector<16xf32>
      %eq3A_473 = arith.cmpf oeq, %get3A_464, %select_n3A_456 : vector<16xf32>
      %gt3A_474 = arith.cmpi sgt, %get3A_471, %select_n3A_457 : vector<16xi32>
      %and3A_475 = arith.andi %eq3A_473, %gt3A_474 : vector<16xi1>
      %or3A_476 = arith.ori %gt3A_472, %and3A_475 : vector<16xi1>
      %select_n3A_477 = arith.select %or3A_476, %get3A_464, %select_n3A_456 : vector<16xi1>, vector<16xf32>
      %select_n3A_478 = arith.select %or3A_476, %get3A_471, %select_n3A_457 : vector<16xi1>, vector<16xi32>
      %mul3A_479 = arith.constant 16 : i32
      %mul3A_480 = arith.muli %scan3A_339, %mul3A_479 : i32
      %add3A_481 = arith.addi %mul3A_37, %mul3A_480 : i32
      %get3A_482 = arith.constant 7 : i32
      %get3A_483 = arith.index_cast %get3A_482 : i32 to index
      %get3A_484 = arith.index_cast %add3A_481 : i32 to index
      %get3A_485 = tpu.vector_load %arg13[%get3A_483, %get3A_484] {strides = array<i32>} : memref<16x384xf32, #tpu.memory_space<vmem>>, vector<16xf32>,
      %mul3A_486 = arith.constant 16 : i32
      %mul3A_487 = arith.muli %scan3A_339, %mul3A_486 : i32
      %add3A_488 = arith.addi %mul3A_37, %mul3A_487 : i32
      %get3A_489 = arith.constant 7 : i32
      %get3A_490 = arith.index_cast %get3A_489 : i32 to index
      %get3A_491 = arith.index_cast %add3A_488 : i32 to index
      %get3A_492 = tpu.vector_load %arg14[%get3A_490, %get3A_491] {strides = array<i32>} : memref<16x384xi32, #tpu.memory_space<vmem>>, vector<16xi32>,
      %gt3A_493 = arith.cmpf ogt, %get3A_485, %select_n3A_477 : vector<16xf32>
      %eq3A_494 = arith.cmpf oeq, %get3A_485, %select_n3A_477 : vector<16xf32>
      %gt3A_495 = arith.cmpi sgt, %get3A_492, %select_n3A_478 : vector<16xi32>
      %and3A_496 = arith.andi %eq3A_494, %gt3A_495 : vector<16xi1>
      %or3A_497 = arith.ori %gt3A_493, %and3A_496 : vector<16xi1>
      %select_n3A_498 = arith.select %or3A_497, %get3A_485, %select_n3A_477 : vector<16xi1>, vector<16xf32>
      %select_n3A_499 = arith.select %or3A_497, %get3A_492, %select_n3A_478 : vector<16xi1>, vector<16xi32>
      %mul3A_500 = arith.constant 16 : i32
      %mul3A_501 = arith.muli %scan3A_339, %mul3A_500 : i32
      %add3A_502 = arith.addi %mul3A_37, %mul3A_501 : i32
      %get3A_503 = arith.constant 8 : i32
      %get3A_504 = arith.index_cast %get3A_503 : i32 to index
      %get3A_505 = arith.index_cast %add3A_502 : i32 to index
      %get3A_506 = tpu.vector_load %arg13[%get3A_504, %get3A_505] {strides = array<i32>} : memref<16x384xf32, #tpu.memory_space<vmem>>, vector<16xf32>,
      %mul3A_507 = arith.constant 16 : i32
      %mul3A_508 = arith.muli %scan3A_339, %mul3A_507 : i32
      %add3A_509 = arith.addi %mul3A_37, %mul3A_508 : i32
      %get3A_510 = arith.constant 8 : i32
      %get3A_511 = arith.index_cast %get3A_510 : i32 to index
      %get3A_512 = arith.index_cast %add3A_509 : i32 to index
      %get3A_513 = tpu.vector_load %arg14[%get3A_511, %get3A_512] {strides = array<i32>} : memref<16x384xi32, #tpu.memory_space<vmem>>, vector<16xi32>,
      %gt3A_514 = arith.cmpf ogt, %get3A_506, %select_n3A_498 : vector<16xf32>
      %eq3A_515 = arith.cmpf oeq, %get3A_506, %select_n3A_498 : vector<16xf32>
      %gt3A_516 = arith.cmpi sgt, %get3A_513, %select_n3A_499 : vector<16xi32>
      %and3A_517 = arith.andi %eq3A_515, %gt3A_516 : vector<16xi1>
      %or3A_518 = arith.ori %gt3A_514, %and3A_517 : vector<16xi1>
      %select_n3A_519 = arith.select %or3A_518, %get3A_506, %select_n3A_498 : vector<16xi1>, vector<16xf32>
      %select_n3A_520 = arith.select %or3A_518, %get3A_513, %select_n3A_499 : vector<16xi1>, vector<16xi32>
      %mul3A_521 = arith.constant 16 : i32
      %mul3A_522 = arith.muli %scan3A_339, %mul3A_521 : i32
      %add3A_523 = arith.addi %mul3A_37, %mul3A_522 : i32
      %get3A_524 = arith.constant 9 : i32
      %get3A_525 = arith.index_cast %get3A_524 : i32 to index
      %get3A_526 = arith.index_cast %add3A_523 : i32 to index
      %get3A_527 = tpu.vector_load %arg13[%get3A_525, %get3A_526] {strides = array<i32>} : memref<16x384xf32, #tpu.memory_space<vmem>>, vector<16xf32>,
      %mul3A_528 = arith.constant 16 : i32
      %mul3A_529 = arith.muli %scan3A_339, %mul3A_528 : i32
      %add3A_530 = arith.addi %mul3A_37, %mul3A_529 : i32
      %get3A_531 = arith.constant 9 : i32
      %get3A_532 = arith.index_cast %get3A_531 : i32 to index
      %get3A_533 = arith.index_cast %add3A_530 : i32 to index
      %get3A_534 = tpu.vector_load %arg14[%get3A_532, %get3A_533] {strides = array<i32>} : memref<16x384xi32, #tpu.memory_space<vmem>>, vector<16xi32>,
      %gt3A_535 = arith.cmpf ogt, %get3A_527, %select_n3A_519 : vector<16xf32>
      %eq3A_536 = arith.cmpf oeq, %get3A_527, %select_n3A_519 : vector<16xf32>
      %gt3A_537 = arith.cmpi sgt, %get3A_534, %select_n3A_520 : vector<16xi32>
      %and3A_538 = arith.andi %eq3A_536, %gt3A_537 : vector<16xi1>
      %or3A_539 = arith.ori %gt3A_535, %and3A_538 : vector<16xi1>
      %select_n3A_540 = arith.select %or3A_539, %get3A_527, %select_n3A_519 : vector<16xi1>, vector<16xf32>
      %select_n3A_541 = arith.select %or3A_539, %get3A_534, %select_n3A_520 : vector<16xi1>, vector<16xi32>
      %mul3A_542 = arith.constant 16 : i32
      %mul3A_543 = arith.muli %scan3A_339, %mul3A_542 : i32
      %add3A_544 = arith.addi %mul3A_37, %mul3A_543 : i32
      %get3A_545 = arith.constant 10 : i32
      %get3A_546 = arith.index_cast %get3A_545 : i32 to index
      %get3A_547 = arith.index_cast %add3A_544 : i32 to index
      %get3A_548 = tpu.vector_load %arg13[%get3A_546, %get3A_547] {strides = array<i32>} : memref<16x384xf32, #tpu.memory_space<vmem>>, vector<16xf32>,
      %mul3A_549 = arith.constant 16 : i32
      %mul3A_550 = arith.muli %scan3A_339, %mul3A_549 : i32
      %add3A_551 = arith.addi %mul3A_37, %mul3A_550 : i32
      %get3A_552 = arith.constant 10 : i32
      %get3A_553 = arith.index_cast %get3A_552 : i32 to index
      %get3A_554 = arith.index_cast %add3A_551 : i32 to index
      %get3A_555 = tpu.vector_load %arg14[%get3A_553, %get3A_554] {strides = array<i32>} : memref<16x384xi32, #tpu.memory_space<vmem>>, vector<16xi32>,
      %gt3A_556 = arith.cmpf ogt, %get3A_548, %select_n3A_540 : vector<16xf32>
      %eq3A_557 = arith.cmpf oeq, %get3A_548, %select_n3A_540 : vector<16xf32>
      %gt3A_558 = arith.cmpi sgt, %get3A_555, %select_n3A_541 : vector<16xi32>
      %and3A_559 = arith.andi %eq3A_557, %gt3A_558 : vector<16xi1>
      %or3A_560 = arith.ori %gt3A_556, %and3A_559 : vector<16xi1>
      %select_n3A_561 = arith.select %or3A_560, %get3A_548, %select_n3A_540 : vector<16xi1>, vector<16xf32>
      %select_n3A_562 = arith.select %or3A_560, %get3A_555, %select_n3A_541 : vector<16xi1>, vector<16xi32>
      %mul3A_563 = arith.constant 16 : i32
      %mul3A_564 = arith.muli %scan3A_339, %mul3A_563 : i32
      %add3A_565 = arith.addi %mul3A_37, %mul3A_564 : i32
      %get3A_566 = arith.constant 11 : i32
      %get3A_567 = arith.index_cast %get3A_566 : i32 to index
      %get3A_568 = arith.index_cast %add3A_565 : i32 to index
      %get3A_569 = tpu.vector_load %arg13[%get3A_567, %get3A_568] {strides = array<i32>} : memref<16x384xf32, #tpu.memory_space<vmem>>, vector<16xf32>,
      %mul3A_570 = arith.constant 16 : i32
      %mul3A_571 = arith.muli %scan3A_339, %mul3A_570 : i32
      %add3A_572 = arith.addi %mul3A_37, %mul3A_571 : i32
      %get3A_573 = arith.constant 11 : i32
      %get3A_574 = arith.index_cast %get3A_573 : i32 to index
      %get3A_575 = arith.index_cast %add3A_572 : i32 to index
      %get3A_576 = tpu.vector_load %arg14[%get3A_574, %get3A_575] {strides = array<i32>} : memref<16x384xi32, #tpu.memory_space<vmem>>, vector<16xi32>,
      %gt3A_577 = arith.cmpf ogt, %get3A_569, %select_n3A_561 : vector<16xf32>
      %eq3A_578 = arith.cmpf oeq, %get3A_569, %select_n3A_561 : vector<16xf32>
      %gt3A_579 = arith.cmpi sgt, %get3A_576, %select_n3A_562 : vector<16xi32>
      %and3A_580 = arith.andi %eq3A_578, %gt3A_579 : vector<16xi1>
      %or3A_581 = arith.ori %gt3A_577, %and3A_580 : vector<16xi1>
      %select_n3A_582 = arith.select %or3A_581, %get3A_569, %select_n3A_561 : vector<16xi1>, vector<16xf32>
      %select_n3A_583 = arith.select %or3A_581, %get3A_576, %select_n3A_562 : vector<16xi1>, vector<16xi32>
      %mul3A_584 = arith.constant 16 : i32
      %mul3A_585 = arith.muli %scan3A_339, %mul3A_584 : i32
      %add3A_586 = arith.addi %mul3A_37, %mul3A_585 : i32
      %get3A_587 = arith.constant 12 : i32
      %get3A_588 = arith.index_cast %get3A_587 : i32 to index
      %get3A_589 = arith.index_cast %add3A_586 : i32 to index
      %get3A_590 = tpu.vector_load %arg13[%get3A_588, %get3A_589] {strides = array<i32>} : memref<16x384xf32, #tpu.memory_space<vmem>>, vector<16xf32>,
      %mul3A_591 = arith.constant 16 : i32
      %mul3A_592 = arith.muli %scan3A_339, %mul3A_591 : i32
      %add3A_593 = arith.addi %mul3A_37, %mul3A_592 : i32
      %get3A_594 = arith.constant 12 : i32
      %get3A_595 = arith.index_cast %get3A_594 : i32 to index
      %get3A_596 = arith.index_cast %add3A_593 : i32 to index
      %get3A_597 = tpu.vector_load %arg14[%get3A_595, %get3A_596] {strides = array<i32>} : memref<16x384xi32, #tpu.memory_space<vmem>>, vector<16xi32>,
      %gt3A_598 = arith.cmpf ogt, %get3A_590, %select_n3A_582 : vector<16xf32>
      %eq3A_599 = arith.cmpf oeq, %get3A_590, %select_n3A_582 : vector<16xf32>
      %gt3A_600 = arith.cmpi sgt, %get3A_597, %select_n3A_583 : vector<16xi32>
      %and3A_601 = arith.andi %eq3A_599, %gt3A_600 : vector<16xi1>
      %or3A_602 = arith.ori %gt3A_598, %and3A_601 : vector<16xi1>
      %select_n3A_603 = arith.select %or3A_602, %get3A_590, %select_n3A_582 : vector<16xi1>, vector<16xf32>
      %select_n3A_604 = arith.select %or3A_602, %get3A_597, %select_n3A_583 : vector<16xi1>, vector<16xi32>
      %mul3A_605 = arith.constant 16 : i32
      %mul3A_606 = arith.muli %scan3A_339, %mul3A_605 : i32
      %add3A_607 = arith.addi %mul3A_37, %mul3A_606 : i32
      %get3A_608 = arith.constant 13 : i32
      %get3A_609 = arith.index_cast %get3A_608 : i32 to index
      %get3A_610 = arith.index_cast %add3A_607 : i32 to index
      %get3A_611 = tpu.vector_load %arg13[%get3A_609, %get3A_610] {strides = array<i32>} : memref<16x384xf32, #tpu.memory_space<vmem>>, vector<16xf32>,
      %mul3A_612 = arith.constant 16 : i32
      %mul3A_613 = arith.muli %scan3A_339, %mul3A_612 : i32
      %add3A_614 = arith.addi %mul3A_37, %mul3A_613 : i32
      %get3A_615 = arith.constant 13 : i32
      %get3A_616 = arith.index_cast %get3A_615 : i32 to index
      %get3A_617 = arith.index_cast %add3A_614 : i32 to index
      %get3A_618 = tpu.vector_load %arg14[%get3A_616, %get3A_617] {strides = array<i32>} : memref<16x384xi32, #tpu.memory_space<vmem>>, vector<16xi32>,
      %gt3A_619 = arith.cmpf ogt, %get3A_611, %select_n3A_603 : vector<16xf32>
      %eq3A_620 = arith.cmpf oeq, %get3A_611, %select_n3A_603 : vector<16xf32>
      %gt3A_621 = arith.cmpi sgt, %get3A_618, %select_n3A_604 : vector<16xi32>
      %and3A_622 = arith.andi %eq3A_620, %gt3A_621 : vector<16xi1>
      %or3A_623 = arith.ori %gt3A_619, %and3A_622 : vector<16xi1>
      %select_n3A_624 = arith.select %or3A_623, %get3A_611, %select_n3A_603 : vector<16xi1>, vector<16xf32>
      %select_n3A_625 = arith.select %or3A_623, %get3A_618, %select_n3A_604 : vector<16xi1>, vector<16xi32>
      %mul3A_626 = arith.constant 16 : i32
      %mul3A_627 = arith.muli %scan3A_339, %mul3A_626 : i32
      %add3A_628 = arith.addi %mul3A_37, %mul3A_627 : i32
      %get3A_629 = arith.constant 14 : i32
      %get3A_630 = arith.index_cast %get3A_629 : i32 to index
      %get3A_631 = arith.index_cast %add3A_628 : i32 to index
      %get3A_632 = tpu.vector_load %arg13[%get3A_630, %get3A_631] {strides = array<i32>} : memref<16x384xf32, #tpu.memory_space<vmem>>, vector<16xf32>,
      %mul3A_633 = arith.constant 16 : i32
      %mul3A_634 = arith.muli %scan3A_339, %mul3A_633 : i32
      %add3A_635 = arith.addi %mul3A_37, %mul3A_634 : i32
      %get3A_636 = arith.constant 14 : i32
      %get3A_637 = arith.index_cast %get3A_636 : i32 to index
      %get3A_638 = arith.index_cast %add3A_635 : i32 to index
      %get3A_639 = tpu.vector_load %arg14[%get3A_637, %get3A_638] {strides = array<i32>} : memref<16x384xi32, #tpu.memory_space<vmem>>, vector<16xi32>,
      %gt3A_640 = arith.cmpf ogt, %get3A_632, %select_n3A_624 : vector<16xf32>
      %eq3A_641 = arith.cmpf oeq, %get3A_632, %select_n3A_624 : vector<16xf32>
      %gt3A_642 = arith.cmpi sgt, %get3A_639, %select_n3A_625 : vector<16xi32>
      %and3A_643 = arith.andi %eq3A_641, %gt3A_642 : vector<16xi1>
      %or3A_644 = arith.ori %gt3A_640, %and3A_643 : vector<16xi1>
      %select_n3A_645 = arith.select %or3A_644, %get3A_632, %select_n3A_624 : vector<16xi1>, vector<16xf32>
      %select_n3A_646 = arith.select %or3A_644, %get3A_639, %select_n3A_625 : vector<16xi1>, vector<16xi32>
      %mul3A_647 = arith.constant 16 : i32
      %mul3A_648 = arith.muli %scan3A_339, %mul3A_647 : i32
      %add3A_649 = arith.addi %mul3A_37, %mul3A_648 : i32
      %get3A_650 = arith.constant 15 : i32
      %get3A_651 = arith.index_cast %get3A_650 : i32 to index
      %get3A_652 = arith.index_cast %add3A_649 : i32 to index
      %get3A_653 = tpu.vector_load %arg13[%get3A_651, %get3A_652] {strides = array<i32>} : memref<16x384xf32, #tpu.memory_space<vmem>>, vector<16xf32>,
      %mul3A_654 = arith.constant 16 : i32
      %mul3A_655 = arith.muli %scan3A_339, %mul3A_654 : i32
      %add3A_656 = arith.addi %mul3A_37, %mul3A_655 : i32
      %get3A_657 = arith.constant 15 : i32
      %get3A_658 = arith.index_cast %get3A_657 : i32 to index
      %get3A_659 = arith.index_cast %add3A_656 : i32 to index
      %get3A_660 = tpu.vector_load %arg14[%get3A_658, %get3A_659] {strides = array<i32>} : memref<16x384xi32, #tpu.memory_space<vmem>>, vector<16xi32>,
      %gt3A_661 = arith.cmpf ogt, %get3A_653, %select_n3A_645 : vector<16xf32>
      %eq3A_662 = arith.cmpf oeq, %get3A_653, %select_n3A_645 : vector<16xf32>
      %gt3A_663 = arith.cmpi sgt, %get3A_660, %select_n3A_646 : vector<16xi32>
      %and3A_664 = arith.andi %eq3A_662, %gt3A_663 : vector<16xi1>
      %or3A_665 = arith.ori %gt3A_661, %and3A_664 : vector<16xi1>
      %select_n3A_666 = arith.select %or3A_665, %get3A_653, %select_n3A_645 : vector<16xi1>, vector<16xf32>
      %select_n3A_667 = arith.select %or3A_665, %get3A_660, %select_n3A_646 : vector<16xi1>, vector<16xi32>
      %eq3A_668 = arith.constant -3.40282347E+38 : f32
      %eq3A_669 = vector.broadcast %eq3A_668 : f32 to vector<16xf32>
      %eq3A_670 = arith.cmpf oeq, %select_n3A_666, %eq3A_669 : vector<16xf32>
      %jit3A = arith.constant -1 : i32
      %broadcast_in_dim3A_671 = vector.broadcast %jit3A : i32 to vector<16xi32>
      %select_n3A_672 = arith.select %eq3A_670, %broadcast_in_dim3A_671, %select_n3A_667 : vector<16xi1>, vector<16xi32>
      %mul3A_673 = arith.constant 16 : i32
      %mul3A_674 = arith.muli %scan3A_339, %mul3A_673 : i32
      %swap3A_675 = arith.index_cast %mul3A_674 : i32 to index
      %swap3A_676 = tpu.vector_load %arg15[%swap3A_675] {strides = array<i32>} : memref<320xi32, #tpu.memory_space<vmem>>, vector<16xi32>,
      tpu.vector_store %arg15[%swap3A_675], %select_n3A_672 {strides = array<i32>} : memref<320xi32, #tpu.memory_space<vmem>>, vector<16xi32>,
    }
    %scan3A_42 = arith.constant 20 : i32
    %mul3A_43 = arith.constant 640 : i32
    %mul3A_44 = arith.muli %arg1, %mul3A_43 : i32
    %mul3A_45 = arith.constant 320 : i32
    %mul3A_46 = arith.muli %arg0, %mul3A_45 : i32
    %add3A_47 = arith.addi %mul3A_44, %mul3A_46 : i32
    %get3A_48 = arith.constant 0 : index
    %get3A_49 = tpu.vector_load %arg15[%get3A_48] {strides = array<i32>} : memref<320xi32, #tpu.memory_space<vmem>>, vector<16xi32>,
    %max3A = arith.constant 0 : i32
    %max3A_50 = vector.broadcast %max3A : i32 to vector<16xi32>
    %max3A_51 = arith.maxsi %get3A_49, %max3A_50 : vector<16xi32>
    %swap3A = arith.constant 0 : index
    %swap3A_52 = tpu.vector_load %arg16[%swap3A] {strides = array<i32>} : memref<320xi32, #tpu.memory_space<vmem>>, vector<16xi32>,
    tpu.vector_store %arg16[%swap3A], %max3A_51 {strides = array<i32>} : memref<320xi32, #tpu.memory_space<vmem>>, vector<16xi32>,
    %get3A_53 = arith.constant 16 : index
    %get3A_54 = tpu.vector_load %arg15[%get3A_53] {strides = array<i32>} : memref<320xi32, #tpu.memory_space<vmem>>, vector<16xi32>,
    %max3A_55 = arith.constant 0 : i32
    %max3A_56 = vector.broadcast %max3A_55 : i32 to vector<16xi32>
    %max3A_57 = arith.maxsi %get3A_54, %max3A_56 : vector<16xi32>
    %swap3A_58 = arith.constant 16 : index
    %swap3A_59 = tpu.vector_load %arg16[%swap3A_58] {strides = array<i32>} : memref<320xi32, #tpu.memory_space<vmem>>, vector<16xi32>,
    tpu.vector_store %arg16[%swap3A_58], %max3A_57 {strides = array<i32>} : memref<320xi32, #tpu.memory_space<vmem>>, vector<16xi32>,
    %get3A_60 = arith.constant 32 : index
    %get3A_61 = tpu.vector_load %arg15[%get3A_60] {strides = array<i32>} : memref<320xi32, #tpu.memory_space<vmem>>, vector<16xi32>,
    %max3A_62 = arith.constant 0 : i32
    %max3A_63 = vector.broadcast %max3A_62 : i32 to vector<16xi32>
    %max3A_64 = arith.maxsi %get3A_61, %max3A_63 : vector<16xi32>
    %swap3A_65 = arith.constant 32 : index
    %swap3A_66 = tpu.vector_load %arg16[%swap3A_65] {strides = array<i32>} : memref<320xi32, #tpu.memory_space<vmem>>, vector<16xi32>,
    tpu.vector_store %arg16[%swap3A_65], %max3A_64 {strides = array<i32>} : memref<320xi32, #tpu.memory_space<vmem>>, vector<16xi32>,
    %get3A_67 = arith.constant 48 : index
    %get3A_68 = tpu.vector_load %arg15[%get3A_67] {strides = array<i32>} : memref<320xi32, #tpu.memory_space<vmem>>, vector<16xi32>,
    %max3A_69 = arith.constant 0 : i32
    %max3A_70 = vector.broadcast %max3A_69 : i32 to vector<16xi32>
    %max3A_71 = arith.maxsi %get3A_68, %max3A_70 : vector<16xi32>
    %swap3A_72 = arith.constant 48 : index
    %swap3A_73 = tpu.vector_load %arg16[%swap3A_72] {strides = array<i32>} : memref<320xi32, #tpu.memory_space<vmem>>, vector<16xi32>,
    tpu.vector_store %arg16[%swap3A_72], %max3A_71 {strides = array<i32>} : memref<320xi32, #tpu.memory_space<vmem>>, vector<16xi32>,
    %get3A_74 = arith.constant 64 : index
    %get3A_75 = tpu.vector_load %arg15[%get3A_74] {strides = array<i32>} : memref<320xi32, #tpu.memory_space<vmem>>, vector<16xi32>,
    %max3A_76 = arith.constant 0 : i32
    %max3A_77 = vector.broadcast %max3A_76 : i32 to vector<16xi32>
    %max3A_78 = arith.maxsi %get3A_75, %max3A_77 : vector<16xi32>
    %swap3A_79 = arith.constant 64 : index
    %swap3A_80 = tpu.vector_load %arg16[%swap3A_79] {strides = array<i32>} : memref<320xi32, #tpu.memory_space<vmem>>, vector<16xi32>,
    tpu.vector_store %arg16[%swap3A_79], %max3A_78 {strides = array<i32>} : memref<320xi32, #tpu.memory_space<vmem>>, vector<16xi32>,
    %get3A_81 = arith.constant 80 : index
    %get3A_82 = tpu.vector_load %arg15[%get3A_81] {strides = array<i32>} : memref<320xi32, #tpu.memory_space<vmem>>, vector<16xi32>,
    %max3A_83 = arith.constant 0 : i32
    %max3A_84 = vector.broadcast %max3A_83 : i32 to vector<16xi32>
    %max3A_85 = arith.maxsi %get3A_82, %max3A_84 : vector<16xi32>
    %swap3A_86 = arith.constant 80 : index
    %swap3A_87 = tpu.vector_load %arg16[%swap3A_86] {strides = array<i32>} : memref<320xi32, #tpu.memory_space<vmem>>, vector<16xi32>,
    tpu.vector_store %arg16[%swap3A_86], %max3A_85 {strides = array<i32>} : memref<320xi32, #tpu.memory_space<vmem>>, vector<16xi32>,
    %get3A_88 = arith.constant 96 : index
    %get3A_89 = tpu.vector_load %arg15[%get3A_88] {strides = array<i32>} : memref<320xi32, #tpu.memory_space<vmem>>, vector<16xi32>,
    %max3A_90 = arith.constant 0 : i32
    %max3A_91 = vector.broadcast %max3A_90 : i32 to vector<16xi32>
    %max3A_92 = arith.maxsi %get3A_89, %max3A_91 : vector<16xi32>
    %swap3A_93 = arith.constant 96 : index
    %swap3A_94 = tpu.vector_load %arg16[%swap3A_93] {strides = array<i32>} : memref<320xi32, #tpu.memory_space<vmem>>, vector<16xi32>,
    tpu.vector_store %arg16[%swap3A_93], %max3A_92 {strides = array<i32>} : memref<320xi32, #tpu.memory_space<vmem>>, vector<16xi32>,
    %get3A_95 = arith.constant 112 : index
    %get3A_96 = tpu.vector_load %arg15[%get3A_95] {strides = array<i32>} : memref<320xi32, #tpu.memory_space<vmem>>, vector<16xi32>,
    %max3A_97 = arith.constant 0 : i32
    %max3A_98 = vector.broadcast %max3A_97 : i32 to vector<16xi32>
    %max3A_99 = arith.maxsi %get3A_96, %max3A_98 : vector<16xi32>
    %swap3A_100 = arith.constant 112 : index
    %swap3A_101 = tpu.vector_load %arg16[%swap3A_100] {strides = array<i32>} : memref<320xi32, #tpu.memory_space<vmem>>, vector<16xi32>,
    tpu.vector_store %arg16[%swap3A_100], %max3A_99 {strides = array<i32>} : memref<320xi32, #tpu.memory_space<vmem>>, vector<16xi32>,
    %get3A_102 = arith.constant 128 : index
    %get3A_103 = tpu.vector_load %arg15[%get3A_102] {strides = array<i32>} : memref<320xi32, #tpu.memory_space<vmem>>, vector<16xi32>,
    %max3A_104 = arith.constant 0 : i32
    %max3A_105 = vector.broadcast %max3A_104 : i32 to vector<16xi32>
    %max3A_106 = arith.maxsi %get3A_103, %max3A_105 : vector<16xi32>
    %swap3A_107 = arith.constant 128 : index
    %swap3A_108 = tpu.vector_load %arg16[%swap3A_107] {strides = array<i32>} : memref<320xi32, #tpu.memory_space<vmem>>, vector<16xi32>,
    tpu.vector_store %arg16[%swap3A_107], %max3A_106 {strides = array<i32>} : memref<320xi32, #tpu.memory_space<vmem>>, vector<16xi32>,
    %get3A_109 = arith.constant 144 : index
    %get3A_110 = tpu.vector_load %arg15[%get3A_109] {strides = array<i32>} : memref<320xi32, #tpu.memory_space<vmem>>, vector<16xi32>,
    %max3A_111 = arith.constant 0 : i32
    %max3A_112 = vector.broadcast %max3A_111 : i32 to vector<16xi32>
    %max3A_113 = arith.maxsi %get3A_110, %max3A_112 : vector<16xi32>
    %swap3A_114 = arith.constant 144 : index
    %swap3A_115 = tpu.vector_load %arg16[%swap3A_114] {strides = array<i32>} : memref<320xi32, #tpu.memory_space<vmem>>, vector<16xi32>,
    tpu.vector_store %arg16[%swap3A_114], %max3A_113 {strides = array<i32>} : memref<320xi32, #tpu.memory_space<vmem>>, vector<16xi32>,
    %get3A_116 = arith.constant 160 : index
    %get3A_117 = tpu.vector_load %arg15[%get3A_116] {strides = array<i32>} : memref<320xi32, #tpu.memory_space<vmem>>, vector<16xi32>,
    %max3A_118 = arith.constant 0 : i32
    %max3A_119 = vector.broadcast %max3A_118 : i32 to vector<16xi32>
    %max3A_120 = arith.maxsi %get3A_117, %max3A_119 : vector<16xi32>
    %swap3A_121 = arith.constant 160 : index
    %swap3A_122 = tpu.vector_load %arg16[%swap3A_121] {strides = array<i32>} : memref<320xi32, #tpu.memory_space<vmem>>, vector<16xi32>,
    tpu.vector_store %arg16[%swap3A_121], %max3A_120 {strides = array<i32>} : memref<320xi32, #tpu.memory_space<vmem>>, vector<16xi32>,
    %get3A_123 = arith.constant 176 : index
    %get3A_124 = tpu.vector_load %arg15[%get3A_123] {strides = array<i32>} : memref<320xi32, #tpu.memory_space<vmem>>, vector<16xi32>,
    %max3A_125 = arith.constant 0 : i32
    %max3A_126 = vector.broadcast %max3A_125 : i32 to vector<16xi32>
    %max3A_127 = arith.maxsi %get3A_124, %max3A_126 : vector<16xi32>
    %swap3A_128 = arith.constant 176 : index
    %swap3A_129 = tpu.vector_load %arg16[%swap3A_128] {strides = array<i32>} : memref<320xi32, #tpu.memory_space<vmem>>, vector<16xi32>,
    tpu.vector_store %arg16[%swap3A_128], %max3A_127 {strides = array<i32>} : memref<320xi32, #tpu.memory_space<vmem>>, vector<16xi32>,
    %get3A_130 = arith.constant 192 : index
    %get3A_131 = tpu.vector_load %arg15[%get3A_130] {strides = array<i32>} : memref<320xi32, #tpu.memory_space<vmem>>, vector<16xi32>,
    %max3A_132 = arith.constant 0 : i32
    %max3A_133 = vector.broadcast %max3A_132 : i32 to vector<16xi32>
    %max3A_134 = arith.maxsi %get3A_131, %max3A_133 : vector<16xi32>
    %swap3A_135 = arith.constant 192 : index
    %swap3A_136 = tpu.vector_load %arg16[%swap3A_135] {strides = array<i32>} : memref<320xi32, #tpu.memory_space<vmem>>, vector<16xi32>,
    tpu.vector_store %arg16[%swap3A_135], %max3A_134 {strides = array<i32>} : memref<320xi32, #tpu.memory_space<vmem>>, vector<16xi32>,
    %get3A_137 = arith.constant 208 : index
    %get3A_138 = tpu.vector_load %arg15[%get3A_137] {strides = array<i32>} : memref<320xi32, #tpu.memory_space<vmem>>, vector<16xi32>,
    %max3A_139 = arith.constant 0 : i32
    %max3A_140 = vector.broadcast %max3A_139 : i32 to vector<16xi32>
    %max3A_141 = arith.maxsi %get3A_138, %max3A_140 : vector<16xi32>
    %swap3A_142 = arith.constant 208 : index
    %swap3A_143 = tpu.vector_load %arg16[%swap3A_142] {strides = array<i32>} : memref<320xi32, #tpu.memory_space<vmem>>, vector<16xi32>,
    tpu.vector_store %arg16[%swap3A_142], %max3A_141 {strides = array<i32>} : memref<320xi32, #tpu.memory_space<vmem>>, vector<16xi32>,
    %get3A_144 = arith.constant 224 : index
    %get3A_145 = tpu.vector_load %arg15[%get3A_144] {strides = array<i32>} : memref<320xi32, #tpu.memory_space<vmem>>, vector<16xi32>,
    %max3A_146 = arith.constant 0 : i32
    %max3A_147 = vector.broadcast %max3A_146 : i32 to vector<16xi32>
    %max3A_148 = arith.maxsi %get3A_145, %max3A_147 : vector<16xi32>
    %swap3A_149 = arith.constant 224 : index
    %swap3A_150 = tpu.vector_load %arg16[%swap3A_149] {strides = array<i32>} : memref<320xi32, #tpu.memory_space<vmem>>, vector<16xi32>,
    tpu.vector_store %arg16[%swap3A_149], %max3A_148 {strides = array<i32>} : memref<320xi32, #tpu.memory_space<vmem>>, vector<16xi32>,
    %get3A_151 = arith.constant 240 : index
    %get3A_152 = tpu.vector_load %arg15[%get3A_151] {strides = array<i32>} : memref<320xi32, #tpu.memory_space<vmem>>, vector<16xi32>,
    %max3A_153 = arith.constant 0 : i32
    %max3A_154 = vector.broadcast %max3A_153 : i32 to vector<16xi32>
    %max3A_155 = arith.maxsi %get3A_152, %max3A_154 : vector<16xi32>
    %swap3A_156 = arith.constant 240 : index
    %swap3A_157 = tpu.vector_load %arg16[%swap3A_156] {strides = array<i32>} : memref<320xi32, #tpu.memory_space<vmem>>, vector<16xi32>,
    tpu.vector_store %arg16[%swap3A_156], %max3A_155 {strides = array<i32>} : memref<320xi32, #tpu.memory_space<vmem>>, vector<16xi32>,
    %get3A_158 = arith.constant 256 : index
    %get3A_159 = tpu.vector_load %arg15[%get3A_158] {strides = array<i32>} : memref<320xi32, #tpu.memory_space<vmem>>, vector<16xi32>,
    %max3A_160 = arith.constant 0 : i32
    %max3A_161 = vector.broadcast %max3A_160 : i32 to vector<16xi32>
    %max3A_162 = arith.maxsi %get3A_159, %max3A_161 : vector<16xi32>
    %swap3A_163 = arith.constant 256 : index
    %swap3A_164 = tpu.vector_load %arg16[%swap3A_163] {strides = array<i32>} : memref<320xi32, #tpu.memory_space<vmem>>, vector<16xi32>,
    tpu.vector_store %arg16[%swap3A_163], %max3A_162 {strides = array<i32>} : memref<320xi32, #tpu.memory_space<vmem>>, vector<16xi32>,
    %get3A_165 = arith.constant 272 : index
    %get3A_166 = tpu.vector_load %arg15[%get3A_165] {strides = array<i32>} : memref<320xi32, #tpu.memory_space<vmem>>, vector<16xi32>,
    %max3A_167 = arith.constant 0 : i32
    %max3A_168 = vector.broadcast %max3A_167 : i32 to vector<16xi32>
    %max3A_169 = arith.maxsi %get3A_166, %max3A_168 : vector<16xi32>
    %swap3A_170 = arith.constant 272 : index
    %swap3A_171 = tpu.vector_load %arg16[%swap3A_170] {strides = array<i32>} : memref<320xi32, #tpu.memory_space<vmem>>, vector<16xi32>,
    tpu.vector_store %arg16[%swap3A_170], %max3A_169 {strides = array<i32>} : memref<320xi32, #tpu.memory_space<vmem>>, vector<16xi32>,
    %get3A_172 = arith.constant 288 : index
    %get3A_173 = tpu.vector_load %arg15[%get3A_172] {strides = array<i32>} : memref<320xi32, #tpu.memory_space<vmem>>, vector<16xi32>,
    %max3A_174 = arith.constant 0 : i32
    %max3A_175 = vector.broadcast %max3A_174 : i32 to vector<16xi32>
    %max3A_176 = arith.maxsi %get3A_173, %max3A_175 : vector<16xi32>
    %swap3A_177 = arith.constant 288 : index
    %swap3A_178 = tpu.vector_load %arg16[%swap3A_177] {strides = array<i32>} : memref<320xi32, #tpu.memory_space<vmem>>, vector<16xi32>,
    tpu.vector_store %arg16[%swap3A_177], %max3A_176 {strides = array<i32>} : memref<320xi32, #tpu.memory_space<vmem>>, vector<16xi32>,
    %get3A_179 = arith.constant 304 : index
    %get3A_180 = tpu.vector_load %arg15[%get3A_179] {strides = array<i32>} : memref<320xi32, #tpu.memory_space<vmem>>, vector<16xi32>,
    %max3A_181 = arith.constant 0 : i32
    %max3A_182 = vector.broadcast %max3A_181 : i32 to vector<16xi32>
    %max3A_183 = arith.maxsi %get3A_180, %max3A_182 : vector<16xi32>
    %swap3A_184 = arith.constant 304 : index
    %swap3A_185 = tpu.vector_load %arg16[%swap3A_184] {strides = array<i32>} : memref<320xi32, #tpu.memory_space<vmem>>, vector<16xi32>,
    tpu.vector_store %arg16[%swap3A_184], %max3A_183 {strides = array<i32>} : memref<320xi32, #tpu.memory_space<vmem>>, vector<16xi32>,
    %broadcast_in_dim3A = arith.constant 0.000000e+00 : f32
    %broadcast_in_dim3A_186 = vector.broadcast %broadcast_in_dim3A : f32 to vector<16xf32>
    %swap3A_187 = arith.constant 0 : i32
    %swap3A_188 = arith.index_cast %swap3A_187 : i32 to index
    %swap3A_189 = arith.constant 0 : index
    %swap3A_190 = tpu.vector_load %arg19[%swap3A_188, %swap3A_189] {strides = array<i32>} : memref<1x256xf32, #tpu.memory_space<vmem>>, vector<16xf32>,
    tpu.vector_store %arg19[%swap3A_188, %swap3A_189], %broadcast_in_dim3A_186 {strides = array<i32>} : memref<1x256xf32, #tpu.memory_space<vmem>>, vector<16xf32>,
    %broadcast_in_dim3A_191 = arith.constant 0.000000e+00 : f32
    %broadcast_in_dim3A_192 = vector.broadcast %broadcast_in_dim3A_191 : f32 to vector<16xf32>
    %swap3A_193 = arith.constant 0 : i32
    %swap3A_194 = arith.index_cast %swap3A_193 : i32 to index
    %swap3A_195 = arith.constant 16 : index
    %swap3A_196 = tpu.vector_load %arg19[%swap3A_194, %swap3A_195] {strides = array<i32>} : memref<1x256xf32, #tpu.memory_space<vmem>>, vector<16xf32>,
    tpu.vector_store %arg19[%swap3A_194, %swap3A_195], %broadcast_in_dim3A_192 {strides = array<i32>} : memref<1x256xf32, #tpu.memory_space<vmem>>, vector<16xf32>,
    %broadcast_in_dim3A_197 = arith.constant 0.000000e+00 : f32
    %broadcast_in_dim3A_198 = vector.broadcast %broadcast_in_dim3A_197 : f32 to vector<16xf32>
    %swap3A_199 = arith.constant 0 : i32
    %swap3A_200 = arith.index_cast %swap3A_199 : i32 to index
    %swap3A_201 = arith.constant 32 : index
    %swap3A_202 = tpu.vector_load %arg19[%swap3A_200, %swap3A_201] {strides = array<i32>} : memref<1x256xf32, #tpu.memory_space<vmem>>, vector<16xf32>,
    tpu.vector_store %arg19[%swap3A_200, %swap3A_201], %broadcast_in_dim3A_198 {strides = array<i32>} : memref<1x256xf32, #tpu.memory_space<vmem>>, vector<16xf32>,
    %broadcast_in_dim3A_203 = arith.constant 0.000000e+00 : f32
    %broadcast_in_dim3A_204 = vector.broadcast %broadcast_in_dim3A_203 : f32 to vector<16xf32>
    %swap3A_205 = arith.constant 0 : i32
    %swap3A_206 = arith.index_cast %swap3A_205 : i32 to index
    %swap3A_207 = arith.constant 48 : index
    %swap3A_208 = tpu.vector_load %arg19[%swap3A_206, %swap3A_207] {strides = array<i32>} : memref<1x256xf32, #tpu.memory_space<vmem>>, vector<16xf32>,
    tpu.vector_store %arg19[%swap3A_206, %swap3A_207], %broadcast_in_dim3A_204 {strides = array<i32>} : memref<1x256xf32, #tpu.memory_space<vmem>>, vector<16xf32>,
    %broadcast_in_dim3A_209 = arith.constant 0.000000e+00 : f32
    %broadcast_in_dim3A_210 = vector.broadcast %broadcast_in_dim3A_209 : f32 to vector<16xf32>
    %swap3A_211 = arith.constant 0 : i32
    %swap3A_212 = arith.index_cast %swap3A_211 : i32 to index
    %swap3A_213 = arith.constant 64 : index
    %swap3A_214 = tpu.vector_load %arg19[%swap3A_212, %swap3A_213] {strides = array<i32>} : memref<1x256xf32, #tpu.memory_space<vmem>>, vector<16xf32>,
    tpu.vector_store %arg19[%swap3A_212, %swap3A_213], %broadcast_in_dim3A_210 {strides = array<i32>} : memref<1x256xf32, #tpu.memory_space<vmem>>, vector<16xf32>,
    %broadcast_in_dim3A_215 = arith.constant 0.000000e+00 : f32
    %broadcast_in_dim3A_216 = vector.broadcast %broadcast_in_dim3A_215 : f32 to vector<16xf32>
    %swap3A_217 = arith.constant 0 : i32
    %swap3A_218 = arith.index_cast %swap3A_217 : i32 to index
    %swap3A_219 = arith.constant 80 : index
    %swap3A_220 = tpu.vector_load %arg19[%swap3A_218, %swap3A_219] {strides = array<i32>} : memref<1x256xf32, #tpu.memory_space<vmem>>, vector<16xf32>,
    tpu.vector_store %arg19[%swap3A_218, %swap3A_219], %broadcast_in_dim3A_216 {strides = array<i32>} : memref<1x256xf32, #tpu.memory_space<vmem>>, vector<16xf32>,
    %broadcast_in_dim3A_221 = arith.constant 0.000000e+00 : f32
    %broadcast_in_dim3A_222 = vector.broadcast %broadcast_in_dim3A_221 : f32 to vector<16xf32>
    %swap3A_223 = arith.constant 0 : i32
    %swap3A_224 = arith.index_cast %swap3A_223 : i32 to index
    %swap3A_225 = arith.constant 96 : index
    %swap3A_226 = tpu.vector_load %arg19[%swap3A_224, %swap3A_225] {strides = array<i32>} : memref<1x256xf32, #tpu.memory_space<vmem>>, vector<16xf32>,
    tpu.vector_store %arg19[%swap3A_224, %swap3A_225], %broadcast_in_dim3A_222 {strides = array<i32>} : memref<1x256xf32, #tpu.memory_space<vmem>>, vector<16xf32>,
    %broadcast_in_dim3A_227 = arith.constant 0.000000e+00 : f32
    %broadcast_in_dim3A_228 = vector.broadcast %broadcast_in_dim3A_227 : f32 to vector<16xf32>
    %swap3A_229 = arith.constant 0 : i32
    %swap3A_230 = arith.index_cast %swap3A_229 : i32 to index
    %swap3A_231 = arith.constant 112 : index
    %swap3A_232 = tpu.vector_load %arg19[%swap3A_230, %swap3A_231] {strides = array<i32>} : memref<1x256xf32, #tpu.memory_space<vmem>>, vector<16xf32>,
    tpu.vector_store %arg19[%swap3A_230, %swap3A_231], %broadcast_in_dim3A_228 {strides = array<i32>} : memref<1x256xf32, #tpu.memory_space<vmem>>, vector<16xf32>,
    %broadcast_in_dim3A_233 = arith.constant 0.000000e+00 : f32
    %broadcast_in_dim3A_234 = vector.broadcast %broadcast_in_dim3A_233 : f32 to vector<16xf32>
    %swap3A_235 = arith.constant 0 : i32
    %swap3A_236 = arith.index_cast %swap3A_235 : i32 to index
    %swap3A_237 = arith.constant 128 : index
    %swap3A_238 = tpu.vector_load %arg19[%swap3A_236, %swap3A_237] {strides = array<i32>} : memref<1x256xf32, #tpu.memory_space<vmem>>, vector<16xf32>,
    tpu.vector_store %arg19[%swap3A_236, %swap3A_237], %broadcast_in_dim3A_234 {strides = array<i32>} : memref<1x256xf32, #tpu.memory_space<vmem>>, vector<16xf32>,
    %broadcast_in_dim3A_239 = arith.constant 0.000000e+00 : f32
    %broadcast_in_dim3A_240 = vector.broadcast %broadcast_in_dim3A_239 : f32 to vector<16xf32>
    %swap3A_241 = arith.constant 0 : i32
    %swap3A_242 = arith.index_cast %swap3A_241 : i32 to index
    %swap3A_243 = arith.constant 144 : index
    %swap3A_244 = tpu.vector_load %arg19[%swap3A_242, %swap3A_243] {strides = array<i32>} : memref<1x256xf32, #tpu.memory_space<vmem>>, vector<16xf32>,
    tpu.vector_store %arg19[%swap3A_242, %swap3A_243], %broadcast_in_dim3A_240 {strides = array<i32>} : memref<1x256xf32, #tpu.memory_space<vmem>>, vector<16xf32>,
    %broadcast_in_dim3A_245 = arith.constant 0.000000e+00 : f32
    %broadcast_in_dim3A_246 = vector.broadcast %broadcast_in_dim3A_245 : f32 to vector<16xf32>
    %swap3A_247 = arith.constant 0 : i32
    %swap3A_248 = arith.index_cast %swap3A_247 : i32 to index
    %swap3A_249 = arith.constant 160 : index
    %swap3A_250 = tpu.vector_load %arg19[%swap3A_248, %swap3A_249] {strides = array<i32>} : memref<1x256xf32, #tpu.memory_space<vmem>>, vector<16xf32>,
    tpu.vector_store %arg19[%swap3A_248, %swap3A_249], %broadcast_in_dim3A_246 {strides = array<i32>} : memref<1x256xf32, #tpu.memory_space<vmem>>, vector<16xf32>,
    %broadcast_in_dim3A_251 = arith.constant 0.000000e+00 : f32
    %broadcast_in_dim3A_252 = vector.broadcast %broadcast_in_dim3A_251 : f32 to vector<16xf32>
    %swap3A_253 = arith.constant 0 : i32
    %swap3A_254 = arith.index_cast %swap3A_253 : i32 to index
    %swap3A_255 = arith.constant 176 : index
    %swap3A_256 = tpu.vector_load %arg19[%swap3A_254, %swap3A_255] {strides = array<i32>} : memref<1x256xf32, #tpu.memory_space<vmem>>, vector<16xf32>,
    tpu.vector_store %arg19[%swap3A_254, %swap3A_255], %broadcast_in_dim3A_252 {strides = array<i32>} : memref<1x256xf32, #tpu.memory_space<vmem>>, vector<16xf32>,
    %broadcast_in_dim3A_257 = arith.constant 0.000000e+00 : f32
    %broadcast_in_dim3A_258 = vector.broadcast %broadcast_in_dim3A_257 : f32 to vector<16xf32>
    %swap3A_259 = arith.constant 0 : i32
    %swap3A_260 = arith.index_cast %swap3A_259 : i32 to index
    %swap3A_261 = arith.constant 192 : index
    %swap3A_262 = tpu.vector_load %arg19[%swap3A_260, %swap3A_261] {strides = array<i32>} : memref<1x256xf32, #tpu.memory_space<vmem>>, vector<16xf32>,
    tpu.vector_store %arg19[%swap3A_260, %swap3A_261], %broadcast_in_dim3A_258 {strides = array<i32>} : memref<1x256xf32, #tpu.memory_space<vmem>>, vector<16xf32>,
    %broadcast_in_dim3A_263 = arith.constant 0.000000e+00 : f32
    %broadcast_in_dim3A_264 = vector.broadcast %broadcast_in_dim3A_263 : f32 to vector<16xf32>
    %swap3A_265 = arith.constant 0 : i32
    %swap3A_266 = arith.index_cast %swap3A_265 : i32 to index
    %swap3A_267 = arith.constant 208 : index
    %swap3A_268 = tpu.vector_load %arg19[%swap3A_266, %swap3A_267] {strides = array<i32>} : memref<1x256xf32, #tpu.memory_space<vmem>>, vector<16xf32>,
    tpu.vector_store %arg19[%swap3A_266, %swap3A_267], %broadcast_in_dim3A_264 {strides = array<i32>} : memref<1x256xf32, #tpu.memory_space<vmem>>, vector<16xf32>,
    %broadcast_in_dim3A_269 = arith.constant 0.000000e+00 : f32
    %broadcast_in_dim3A_270 = vector.broadcast %broadcast_in_dim3A_269 : f32 to vector<16xf32>
    %swap3A_271 = arith.constant 0 : i32
    %swap3A_272 = arith.index_cast %swap3A_271 : i32 to index
    %swap3A_273 = arith.constant 224 : index
    %swap3A_274 = tpu.vector_load %arg19[%swap3A_272, %swap3A_273] {strides = array<i32>} : memref<1x256xf32, #tpu.memory_space<vmem>>, vector<16xf32>,
    tpu.vector_store %arg19[%swap3A_272, %swap3A_273], %broadcast_in_dim3A_270 {strides = array<i32>} : memref<1x256xf32, #tpu.memory_space<vmem>>, vector<16xf32>,
    %broadcast_in_dim3A_275 = arith.constant 0.000000e+00 : f32
    %broadcast_in_dim3A_276 = vector.broadcast %broadcast_in_dim3A_275 : f32 to vector<16xf32>
    %swap3A_277 = arith.constant 0 : i32
    %swap3A_278 = arith.index_cast %swap3A_277 : i32 to index
    %swap3A_279 = arith.constant 240 : index
    %swap3A_280 = tpu.vector_load %arg19[%swap3A_278, %swap3A_279] {strides = array<i32>} : memref<1x256xf32, #tpu.memory_space<vmem>>, vector<16xf32>,
    tpu.vector_store %arg19[%swap3A_278, %swap3A_279], %broadcast_in_dim3A_276 {strides = array<i32>} : memref<1x256xf32, #tpu.memory_space<vmem>>, vector<16xf32>,
    %add3A_281 = arith.constant 0 : i32
    %add3A_282 = arith.addi %add3A_47, %add3A_281 : i32
    %add3A_283 = arith.constant 80 : i32
    %add3A_284 = arith.addi %add3A_282, %add3A_283 : i32
    %le3A = arith.constant 10000 : i32
    %le3A_285 = arith.cmpi sle, %add3A_284, %le3A : i32
    %convert_element_type3A_286 = arith.extui %le3A_285 : i1 to i32
    %cond3A_287 = arith.constant 0 : i32
    %cond3A_288 = arith.cmpi ne, %convert_element_type3A_286, %cond3A_287 : i32
    scf.if %cond3A_288 {
      %dma_start3A_339 = arith.constant 0 : i32
      %dma_start3A_340 = tpu.memref_slice %arg16[%dma_start3A_339] : memref<320xi32, #tpu.memory_space<vmem>> -> memref<80xi32, #tpu.memory_space<vmem>>
      %dma_start3A_341 = arith.constant 0 : i32
      %dma_start3A_342 = arith.constant 0 : i32
      %dma_start3A_343 = tpu.memref_slice %arg2[%dma_start3A_341, %dma_start3A_342] : memref<160000x256xf32, #tpu.memory_space<hbm>> -> memref<160000x256xf32, #tpu.memory_space<hbm>>
      tpu.enqueue_indirect_dma source(%dma_start3A_343 : memref<160000x256xf32, #tpu.memory_space<hbm>>) target(%arg17 : memref<80x256xf32, #tpu.memory_space<vmem>>) offsets(%dma_start3A_340 : memref<80xi32, #tpu.memory_space<vmem>>) semaphore(%arg21 : memref<!tpu.dma_semaphore, #tpu.memory_space<semaphore_mem>>)
    } else {
    }
    %add3A_289 = arith.constant 80 : i32
    %add3A_290 = arith.addi %add3A_47, %add3A_289 : i32
    %add3A_291 = arith.constant 80 : i32
    %add3A_292 = arith.addi %add3A_290, %add3A_291 : i32
    %le3A_293 = arith.constant 10000 : i32
    %le3A_294 = arith.cmpi sle, %add3A_292, %le3A_293 : i32
    %convert_element_type3A_295 = arith.extui %le3A_294 : i1 to i32
    %cond3A_296 = arith.constant 0 : i32
    %cond3A_297 = arith.cmpi ne, %convert_element_type3A_295, %cond3A_296 : i32
    scf.if %cond3A_297 {
      %dma_start3A_339 = arith.constant 80 : i32
      %dma_start3A_340 = tpu.memref_slice %arg16[%dma_start3A_339] : memref<320xi32, #tpu.memory_space<vmem>> -> memref<80xi32, #tpu.memory_space<vmem>>
      %dma_start3A_341 = arith.constant 0 : i32
      %dma_start3A_342 = arith.constant 0 : i32
      %dma_start3A_343 = tpu.memref_slice %arg2[%dma_start3A_341, %dma_start3A_342] : memref<160000x256xf32, #tpu.memory_space<hbm>> -> memref<160000x256xf32, #tpu.memory_space<hbm>>
      tpu.enqueue_indirect_dma source(%dma_start3A_343 : memref<160000x256xf32, #tpu.memory_space<hbm>>) target(%arg18 : memref<80x256xf32, #tpu.memory_space<vmem>>) offsets(%dma_start3A_340 : memref<80xi32, #tpu.memory_space<vmem>>) semaphore(%arg22 : memref<!tpu.dma_semaphore, #tpu.memory_space<semaphore_mem>>)
    } else {
    }
    %add3A_298 = arith.constant 0 : i32
    %add3A_299 = arith.addi %add3A_47, %add3A_298 : i32
    %add3A_300 = arith.constant 80 : i32
    %add3A_301 = arith.addi %add3A_299, %add3A_300 : i32
    %le3A_302 = arith.constant 10000 : i32
    %le3A_303 = arith.cmpi sle, %add3A_301, %le3A_302 : i32
    %convert_element_type3A_304 = arith.extui %le3A_303 : i1 to i32
    %cond3A_305 = arith.constant 0 : i32
    %cond3A_306 = arith.cmpi ne, %convert_element_type3A_304, %cond3A_305 : i32
    scf.if %cond3A_306 {
      %dma_wait3A_339 = arith.constant 0 : i32
      %dma_wait3A_340 = tpu.memref_slice %arg16[%dma_wait3A_339] : memref<320xi32, #tpu.memory_space<vmem>> -> memref<80xi32, #tpu.memory_space<vmem>>
      %dma_wait3A_341 = arith.constant 0 : i32
      %dma_wait3A_342 = arith.constant 0 : i32
      %dma_wait3A_343 = tpu.memref_slice %arg2[%dma_wait3A_341, %dma_wait3A_342] : memref<160000x256xf32, #tpu.memory_space<hbm>> -> memref<160000x256xf32, #tpu.memory_space<hbm>>
      tpu.wait_indirect_dma semaphore(%arg21 : memref<!tpu.dma_semaphore, #tpu.memory_space<semaphore_mem>>) src(%dma_wait3A_343 : memref<160000x256xf32, #tpu.memory_space<hbm>>) dst(%arg17 : memref<80x256xf32, #tpu.memory_space<vmem>>)
      %add3A_344 = arith.constant 160 : i32
      %add3A_345 = arith.addi %add3A_47, %add3A_344 : i32
      %add3A_346 = arith.constant 80 : i32
      %add3A_347 = arith.addi %add3A_345, %add3A_346 : i32
      %le3A_348 = arith.constant 10000 : i32
      %le3A_349 = arith.cmpi sle, %add3A_347, %le3A_348 : i32
      %convert_element_type3A_350 = arith.extui %le3A_349 : i1 to i32
      %cond3A_351 = arith.constant 0 : i32
      %cond3A_352 = arith.cmpi ne, %convert_element_type3A_350, %cond3A_351 : i32
      scf.if %cond3A_352 {
        %dma_start3A_355 = arith.constant 160 : i32
        %dma_start3A_356 = tpu.memref_slice %arg16[%dma_start3A_355] : memref<320xi32, #tpu.memory_space<vmem>> -> memref<80xi32, #tpu.memory_space<vmem>>
        %dma_start3A_357 = arith.constant 0 : i32
        %dma_start3A_358 = arith.constant 0 : i32
        %dma_start3A_359 = tpu.memref_slice %arg2[%dma_start3A_357, %dma_start3A_358] : memref<160000x256xf32, #tpu.memory_space<hbm>> -> memref<160000x256xf32, #tpu.memory_space<hbm>>
        tpu.enqueue_indirect_dma source(%dma_start3A_359 : memref<160000x256xf32, #tpu.memory_space<hbm>>) target(%arg17 : memref<80x256xf32, #tpu.memory_space<vmem>>) offsets(%dma_start3A_356 : memref<80xi32, #tpu.memory_space<vmem>>) semaphore(%arg21 : memref<!tpu.dma_semaphore, #tpu.memory_space<semaphore_mem>>)
      } else {
      }
      %add3A_353 = arith.constant 0 : i32
      %add3A_354 = arith.addi %add3A_47, %add3A_353 : i32
      "tpu.region"() ({
        %run_scoped3A = tpu.sem_alloc : memref<!tpu.dma_semaphore, #tpu.memory_space<semaphore_mem>>
        %dma_start3A_355 = arith.constant 0 : i32
        %dma_start3A_356 = tpu.memref_slice %arg7[%add3A_354, %dma_start3A_355] : memref<10000x256xf32, #tpu.memory_space<hbm>> -> memref<80x256xf32, #tpu.memory_space<hbm>>
        %dma_start3A_357 = arith.constant 0 : i32
        %dma_start3A_358 = tpu.memref_slice %arg7[%add3A_354, %dma_start3A_357] : memref<10000x256xf32, #tpu.memory_space<hbm>> -> memref<80x256xf32, #tpu.memory_space<hbm>>
        tpu.enqueue_dma source(%arg17 : memref<80x256xf32, #tpu.memory_space<vmem>>) target(%dma_start3A_358 : memref<80x256xf32, #tpu.memory_space<hbm>>) target_semaphore(%run_scoped3A : memref<!tpu.dma_semaphore, #tpu.memory_space<semaphore_mem>>)
        %dma_wait3A_359 = arith.constant 0 : i32
        %dma_wait3A_360 = tpu.memref_slice %arg7[%add3A_354, %dma_wait3A_359] : memref<10000x256xf32, #tpu.memory_space<hbm>> -> memref<80x256xf32, #tpu.memory_space<hbm>>
        %dma_wait3A_361 = arith.constant 0 : i32
        %dma_wait3A_362 = tpu.memref_slice %arg7[%add3A_354, %dma_wait3A_361] : memref<10000x256xf32, #tpu.memory_space<hbm>> -> memref<80x256xf32, #tpu.memory_space<hbm>>
        tpu.wait_dma2 semaphore(%run_scoped3A : memref<!tpu.dma_semaphore, #tpu.memory_space<semaphore_mem>>) src(%arg17 : memref<80x256xf32, #tpu.memory_space<vmem>>) dst(%dma_wait3A_362 : memref<80x256xf32, #tpu.memory_space<hbm>>)
        tpu.yield
      }) : () -> ()
    } else {
    }
    %add3A_307 = arith.constant 80 : i32
    %add3A_308 = arith.addi %add3A_47, %add3A_307 : i32
    %add3A_309 = arith.constant 80 : i32
    %add3A_310 = arith.addi %add3A_308, %add3A_309 : i32
    %le3A_311 = arith.constant 10000 : i32
    %le3A_312 = arith.cmpi sle, %add3A_310, %le3A_311 : i32
    %convert_element_type3A_313 = arith.extui %le3A_312 : i1 to i32
    %cond3A_314 = arith.constant 0 : i32
    %cond3A_315 = arith.cmpi ne, %convert_element_type3A_313, %cond3A_314 : i32
    scf.if %cond3A_315 {
      %dma_wait3A_339 = arith.constant 80 : i32
      %dma_wait3A_340 = tpu.memref_slice %arg16[%dma_wait3A_339] : memref<320xi32, #tpu.memory_space<vmem>> -> memref<80xi32, #tpu.memory_space<vmem>>
      %dma_wait3A_341 = arith.constant 0 : i32
      %dma_wait3A_342 = arith.constant 0 : i32
      %dma_wait3A_343 = tpu.memref_slice %arg2[%dma_wait3A_341, %dma_wait3A_342] : memref<160000x256xf32, #tpu.memory_space<hbm>> -> memref<160000x256xf32, #tpu.memory_space<hbm>>
      tpu.wait_indirect_dma semaphore(%arg22 : memref<!tpu.dma_semaphore, #tpu.memory_space<semaphore_mem>>) src(%dma_wait3A_343 : memref<160000x256xf32, #tpu.memory_space<hbm>>) dst(%arg18 : memref<80x256xf32, #tpu.memory_space<vmem>>)
      %add3A_344 = arith.constant 240 : i32
      %add3A_345 = arith.addi %add3A_47, %add3A_344 : i32
      %add3A_346 = arith.constant 80 : i32
      %add3A_347 = arith.addi %add3A_345, %add3A_346 : i32
      %le3A_348 = arith.constant 10000 : i32
      %le3A_349 = arith.cmpi sle, %add3A_347, %le3A_348 : i32
      %convert_element_type3A_350 = arith.extui %le3A_349 : i1 to i32
      %cond3A_351 = arith.constant 0 : i32
      %cond3A_352 = arith.cmpi ne, %convert_element_type3A_350, %cond3A_351 : i32
      scf.if %cond3A_352 {
        %dma_start3A_355 = arith.constant 240 : i32
        %dma_start3A_356 = tpu.memref_slice %arg16[%dma_start3A_355] : memref<320xi32, #tpu.memory_space<vmem>> -> memref<80xi32, #tpu.memory_space<vmem>>
        %dma_start3A_357 = arith.constant 0 : i32
        %dma_start3A_358 = arith.constant 0 : i32
        %dma_start3A_359 = tpu.memref_slice %arg2[%dma_start3A_357, %dma_start3A_358] : memref<160000x256xf32, #tpu.memory_space<hbm>> -> memref<160000x256xf32, #tpu.memory_space<hbm>>
        tpu.enqueue_indirect_dma source(%dma_start3A_359 : memref<160000x256xf32, #tpu.memory_space<hbm>>) target(%arg18 : memref<80x256xf32, #tpu.memory_space<vmem>>) offsets(%dma_start3A_356 : memref<80xi32, #tpu.memory_space<vmem>>) semaphore(%arg22 : memref<!tpu.dma_semaphore, #tpu.memory_space<semaphore_mem>>)
      } else {
      }
      %add3A_353 = arith.constant 80 : i32
      %add3A_354 = arith.addi %add3A_47, %add3A_353 : i32
      "tpu.region"() ({
        %run_scoped3A = tpu.sem_alloc : memref<!tpu.dma_semaphore, #tpu.memory_space<semaphore_mem>>
        %dma_start3A_355 = arith.constant 0 : i32
        %dma_start3A_356 = tpu.memref_slice %arg7[%add3A_354, %dma_start3A_355] : memref<10000x256xf32, #tpu.memory_space<hbm>> -> memref<80x256xf32, #tpu.memory_space<hbm>>
        %dma_start3A_357 = arith.constant 0 : i32
        %dma_start3A_358 = tpu.memref_slice %arg7[%add3A_354, %dma_start3A_357] : memref<10000x256xf32, #tpu.memory_space<hbm>> -> memref<80x256xf32, #tpu.memory_space<hbm>>
        tpu.enqueue_dma source(%arg18 : memref<80x256xf32, #tpu.memory_space<vmem>>) target(%dma_start3A_358 : memref<80x256xf32, #tpu.memory_space<hbm>>) target_semaphore(%run_scoped3A : memref<!tpu.dma_semaphore, #tpu.memory_space<semaphore_mem>>)
        %dma_wait3A_359 = arith.constant 0 : i32
        %dma_wait3A_360 = tpu.memref_slice %arg7[%add3A_354, %dma_wait3A_359] : memref<10000x256xf32, #tpu.memory_space<hbm>> -> memref<80x256xf32, #tpu.memory_space<hbm>>
        %dma_wait3A_361 = arith.constant 0 : i32
        %dma_wait3A_362 = tpu.memref_slice %arg7[%add3A_354, %dma_wait3A_361] : memref<10000x256xf32, #tpu.memory_space<hbm>> -> memref<80x256xf32, #tpu.memory_space<hbm>>
        tpu.wait_dma2 semaphore(%run_scoped3A : memref<!tpu.dma_semaphore, #tpu.memory_space<semaphore_mem>>) src(%arg18 : memref<80x256xf32, #tpu.memory_space<vmem>>) dst(%dma_wait3A_362 : memref<80x256xf32, #tpu.memory_space<hbm>>)
        tpu.yield
      }) : () -> ()
    } else {
    }
    %add3A_316 = arith.constant 160 : i32
    %add3A_317 = arith.addi %add3A_47, %add3A_316 : i32
    %add3A_318 = arith.constant 80 : i32
    %add3A_319 = arith.addi %add3A_317, %add3A_318 : i32
    %le3A_320 = arith.constant 10000 : i32
    %le3A_321 = arith.cmpi sle, %add3A_319, %le3A_320 : i32
    %convert_element_type3A_322 = arith.extui %le3A_321 : i1 to i32
    %cond3A_323 = arith.constant 0 : i32
    %cond3A_324 = arith.cmpi ne, %convert_element_type3A_322, %cond3A_323 : i32
    scf.if %cond3A_324 {
      %dma_wait3A_339 = arith.constant 160 : i32
      %dma_wait3A_340 = tpu.memref_slice %arg16[%dma_wait3A_339] : memref<320xi32, #tpu.memory_space<vmem>> -> memref<80xi32, #tpu.memory_space<vmem>>
      %dma_wait3A_341 = arith.constant 0 : i32
      %dma_wait3A_342 = arith.constant 0 : i32
      %dma_wait3A_343 = tpu.memref_slice %arg2[%dma_wait3A_341, %dma_wait3A_342] : memref<160000x256xf32, #tpu.memory_space<hbm>> -> memref<160000x256xf32, #tpu.memory_space<hbm>>
      tpu.wait_indirect_dma semaphore(%arg21 : memref<!tpu.dma_semaphore, #tpu.memory_space<semaphore_mem>>) src(%dma_wait3A_343 : memref<160000x256xf32, #tpu.memory_space<hbm>>) dst(%arg17 : memref<80x256xf32, #tpu.memory_space<vmem>>)
      %add3A_344 = arith.constant 160 : i32
      %add3A_345 = arith.addi %add3A_47, %add3A_344 : i32
      "tpu.region"() ({
        %run_scoped3A = tpu.sem_alloc : memref<!tpu.dma_semaphore, #tpu.memory_space<semaphore_mem>>
        %dma_start3A_346 = arith.constant 0 : i32
        %dma_start3A_347 = tpu.memref_slice %arg7[%add3A_345, %dma_start3A_346] : memref<10000x256xf32, #tpu.memory_space<hbm>> -> memref<80x256xf32, #tpu.memory_space<hbm>>
        %dma_start3A_348 = arith.constant 0 : i32
        %dma_start3A_349 = tpu.memref_slice %arg7[%add3A_345, %dma_start3A_348] : memref<10000x256xf32, #tpu.memory_space<hbm>> -> memref<80x256xf32, #tpu.memory_space<hbm>>
        tpu.enqueue_dma source(%arg17 : memref<80x256xf32, #tpu.memory_space<vmem>>) target(%dma_start3A_349 : memref<80x256xf32, #tpu.memory_space<hbm>>) target_semaphore(%run_scoped3A : memref<!tpu.dma_semaphore, #tpu.memory_space<semaphore_mem>>)
        %dma_wait3A_350 = arith.constant 0 : i32
        %dma_wait3A_351 = tpu.memref_slice %arg7[%add3A_345, %dma_wait3A_350] : memref<10000x256xf32, #tpu.memory_space<hbm>> -> memref<80x256xf32, #tpu.memory_space<hbm>>
        %dma_wait3A_352 = arith.constant 0 : i32
        %dma_wait3A_353 = tpu.memref_slice %arg7[%add3A_345, %dma_wait3A_352] : memref<10000x256xf32, #tpu.memory_space<hbm>> -> memref<80x256xf32, #tpu.memory_space<hbm>>
        tpu.wait_dma2 semaphore(%run_scoped3A : memref<!tpu.dma_semaphore, #tpu.memory_space<semaphore_mem>>) src(%arg17 : memref<80x256xf32, #tpu.memory_space<vmem>>) dst(%dma_wait3A_353 : memref<80x256xf32, #tpu.memory_space<hbm>>)
        tpu.yield
      }) : () -> ()
    } else {
    }
    %add3A_325 = arith.constant 240 : i32
    %add3A_326 = arith.addi %add3A_47, %add3A_325 : i32
    %add3A_327 = arith.constant 80 : i32
    %add3A_328 = arith.addi %add3A_326, %add3A_327 : i32
    %le3A_329 = arith.constant 10000 : i32
    %le3A_330 = arith.cmpi sle, %add3A_328, %le3A_329 : i32
    %convert_element_type3A_331 = arith.extui %le3A_330 : i1 to i32
    %cond3A_332 = arith.constant 0 : i32
    %cond3A_333 = arith.cmpi ne, %convert_element_type3A_331, %cond3A_332 : i32
    scf.if %cond3A_333 {
      %dma_wait3A_339 = arith.constant 240 : i32
      %dma_wait3A_340 = tpu.memref_slice %arg16[%dma_wait3A_339] : memref<320xi32, #tpu.memory_space<vmem>> -> memref<80xi32, #tpu.memory_space<vmem>>
      %dma_wait3A_341 = arith.constant 0 : i32
      %dma_wait3A_342 = arith.constant 0 : i32
      %dma_wait3A_343 = tpu.memref_slice %arg2[%dma_wait3A_341, %dma_wait3A_342] : memref<160000x256xf32, #tpu.memory_space<hbm>> -> memref<160000x256xf32, #tpu.memory_space<hbm>>
      tpu.wait_indirect_dma semaphore(%arg22 : memref<!tpu.dma_semaphore, #tpu.memory_space<semaphore_mem>>) src(%dma_wait3A_343 : memref<160000x256xf32, #tpu.memory_space<hbm>>) dst(%arg18 : memref<80x256xf32, #tpu.memory_space<vmem>>)
      %add3A_344 = arith.constant 240 : i32
      %add3A_345 = arith.addi %add3A_47, %add3A_344 : i32
      "tpu.region"() ({
        %run_scoped3A = tpu.sem_alloc : memref<!tpu.dma_semaphore, #tpu.memory_space<semaphore_mem>>
        %dma_start3A_346 = arith.constant 0 : i32
        %dma_start3A_347 = tpu.memref_slice %arg7[%add3A_345, %dma_start3A_346] : memref<10000x256xf32, #tpu.memory_space<hbm>> -> memref<80x256xf32, #tpu.memory_space<hbm>>
        %dma_start3A_348 = arith.constant 0 : i32
        %dma_start3A_349 = tpu.memref_slice %arg7[%add3A_345, %dma_start3A_348] : memref<10000x256xf32, #tpu.memory_space<hbm>> -> memref<80x256xf32, #tpu.memory_space<hbm>>
        tpu.enqueue_dma source(%arg18 : memref<80x256xf32, #tpu.memory_space<vmem>>) target(%dma_start3A_349 : memref<80x256xf32, #tpu.memory_space<hbm>>) target_semaphore(%run_scoped3A : memref<!tpu.dma_semaphore, #tpu.memory_space<semaphore_mem>>)
        %dma_wait3A_350 = arith.constant 0 : i32
        %dma_wait3A_351 = tpu.memref_slice %arg7[%add3A_345, %dma_wait3A_350] : memref<10000x256xf32, #tpu.memory_space<hbm>> -> memref<80x256xf32, #tpu.memory_space<hbm>>
        %dma_wait3A_352 = arith.constant 0 : i32
        %dma_wait3A_353 = tpu.memref_slice %arg7[%add3A_345, %dma_wait3A_352] : memref<10000x256xf32, #tpu.memory_space<hbm>> -> memref<80x256xf32, #tpu.memory_space<hbm>>
        tpu.wait_dma2 semaphore(%run_scoped3A : memref<!tpu.dma_semaphore, #tpu.memory_space<semaphore_mem>>) src(%arg18 : memref<80x256xf32, #tpu.memory_space<vmem>>) dst(%dma_wait3A_353 : memref<80x256xf32, #tpu.memory_space<hbm>>)
        tpu.yield
      }) : () -> ()
    } else {
    }
    %scan3A_334 = arith.constant 0 : i32
    %scan3A_335 = arith.constant 20 : i32
    %scan3A_336 = arith.addi %scan3A_334, %scan3A_335 : i32
    %scan3A_337 = arith.constant 1 : i32
    scf.for %scan3A_339 = %scan3A_334 to %scan3A_336 step %scan3A_337  : i32 {
      %mul3A_340 = arith.constant 16 : i32
      %mul3A_341 = arith.muli %scan3A_339, %mul3A_340 : i32
      %get3A_342 = arith.index_cast %mul3A_341 : i32 to index
      %get3A_343 = tpu.vector_load %arg15[%get3A_342] {strides = array<i32>} : memref<320xi32, #tpu.memory_space<vmem>>, vector<16xi32>,
      %lt3A = arith.constant 0 : i32
      %lt3A_344 = vector.broadcast %lt3A : i32 to vector<16xi32>
      %lt3A_345 = arith.cmpi slt, %get3A_343, %lt3A_344 : vector<16xi32>
      %all_reduce_population_count3A_346 = tpu.all_reduce %lt3A_345 {dim = 0 : i64, kind = #tpu.reduction_kind<sum>} : vector<16xi1> -> vector<16xi32>
      %slice3A_347 = vector.extract_strided_slice %all_reduce_population_count3A_346 {offsets = [0], sizes = [1], strides = [1]} : vector<16xi32> to vector<1xi32>
      %squeeze3A_348 = vector.extract %slice3A_347[0] : i32 from vector<1xi32>
      %gt3A_349 = arith.constant 0 : i32
      %gt3A_350 = arith.cmpi sgt, %squeeze3A_348, %gt3A_349 : i32
      %convert_element_type3A_351 = arith.extui %gt3A_350 : i1 to i32
      %cond3A_352 = arith.constant 0 : i32
      %cond3A_353 = arith.cmpi ne, %convert_element_type3A_351, %cond3A_352 : i32
      scf.if %cond3A_353 {
        %scan3A_354 = arith.constant 0 : i32
        %scan3A_355 = arith.constant 16 : i32
        %scan3A_356 = arith.addi %scan3A_354, %scan3A_355 : i32
        %scan3A_357 = arith.constant 1 : i32
        scf.for %scan3A_359 = %scan3A_354 to %scan3A_356 step %scan3A_357  : i32 {
          %eq3A_360 = vector.broadcast %scan3A_359 : i32 to vector<16xi32>
          %eq3A_361 = arith.cmpi eq, %iota3A, %eq3A_360 : vector<16xi32>
          %jit3A = arith.constant 0 : i32
          %broadcast_in_dim3A_362 = vector.broadcast %jit3A : i32 to vector<16xi32>
          %select_n3A = arith.select %eq3A_361, %get3A_343, %broadcast_in_dim3A_362 : vector<16xi1>, vector<16xi32>
          %reduce_sum3A = arith.constant true
          %reduce_sum3A_363 = vector.broadcast %reduce_sum3A : i1 to vector<16xi1>
          %reduce_sum3A_364 = tpu.scan <sum>, %select_n3A masked %reduce_sum3A_363 : vector<16xi32>, vector<16xi1> -> vector<16xi32>
          %reduce_sum3A_365 = vector.extract %reduce_sum3A_364[15] : i32 from vector<16xi32>
          %mul3A_366 = arith.constant 16 : i32
          %mul3A_367 = arith.muli %scan3A_339, %mul3A_366 : i32
          %add3A_368 = arith.addi %add3A_47, %mul3A_367 : i32
          %add3A_369 = arith.addi %add3A_368, %scan3A_359 : i32
          %lt3A_370 = arith.constant 0 : i32
          %lt3A_371 = arith.cmpi slt, %reduce_sum3A_365, %lt3A_370 : i32
          %lt3A_372 = arith.constant 10000 : i32
          %lt3A_373 = arith.cmpi slt, %add3A_369, %lt3A_372 : i32
          %and3A_374 = arith.andi %lt3A_371, %lt3A_373 : i1
          %convert_element_type3A_375 = arith.extui %and3A_374 : i1 to i32
          %cond3A_376 = arith.constant 0 : i32
          %cond3A_377 = arith.cmpi ne, %convert_element_type3A_375, %cond3A_376 : i32
          scf.if %cond3A_377 {
            "tpu.region"() ({
              %run_scoped3A = tpu.sem_alloc : memref<!tpu.dma_semaphore, #tpu.memory_space<semaphore_mem>>
              %dma_start3A_378 = arith.constant 0 : i32
              %dma_start3A_379 = tpu.memref_slice %arg7[%add3A_369, %dma_start3A_378] : memref<10000x256xf32, #tpu.memory_space<hbm>> -> memref<1x256xf32, #tpu.memory_space<hbm>>
              %dma_start3A_380 = arith.constant 0 : i32
              %dma_start3A_381 = tpu.memref_slice %arg7[%add3A_369, %dma_start3A_380] : memref<10000x256xf32, #tpu.memory_space<hbm>> -> memref<1x256xf32, #tpu.memory_space<hbm>>
              tpu.enqueue_dma source(%arg19 : memref<1x256xf32, #tpu.memory_space<vmem>>) target(%dma_start3A_381 : memref<1x256xf32, #tpu.memory_space<hbm>>) target_semaphore(%run_scoped3A : memref<!tpu.dma_semaphore, #tpu.memory_space<semaphore_mem>>)
              %dma_wait3A_382 = arith.constant 0 : i32
              %dma_wait3A_383 = tpu.memref_slice %arg7[%add3A_369, %dma_wait3A_382] : memref<10000x256xf32, #tpu.memory_space<hbm>> -> memref<1x256xf32, #tpu.memory_space<hbm>>
              %dma_wait3A_384 = arith.constant 0 : i32
              %dma_wait3A_385 = tpu.memref_slice %arg7[%add3A_369, %dma_wait3A_384] : memref<10000x256xf32, #tpu.memory_space<hbm>> -> memref<1x256xf32, #tpu.memory_space<hbm>>
              tpu.wait_dma2 semaphore(%run_scoped3A : memref<!tpu.dma_semaphore, #tpu.memory_space<semaphore_mem>>) src(%arg19 : memref<1x256xf32, #tpu.memory_space<vmem>>) dst(%dma_wait3A_385 : memref<1x256xf32, #tpu.memory_space<hbm>>)
              tpu.yield
            }) : () -> ()
          } else {
          }
        }
        %scan3A_358 = arith.constant 16 : i32
      } else {
      }
    }
    %scan3A_338 = arith.constant 20 : i32
    return
  }
}

</mosaic_0001>

<sc_bundles>
// kernel: kernel.3.cloned.1.call-start
scs
__scs_entry_jumppad:
0x0: {  	(pc) =	sbr.rel $0x88, $3  }
0x1: {  	(tag) =	ssettag $0x0;
	lr =	simm.s32 $0x1  }
0x2: {  	[smem:$0x3F9E] =	sst lr;
	_ =	strace $0xD0000000  }
0x3: {  	_ = 	snop  }
0x4: {  	_ = 	snop  }
0x5: {  	_ = 	snop  }
0x6: {  	_ = 	snop  }
0x7: {  	_ = 	snop  }
__scs_overlays_trampoline_lowered:
0x8: {  	[smem:$0x3FAD] =	sst s0  }
0x9: {  	[smem:$0x3FAE] =	sst s1  }
0xa: {  	[smem:$0x3FAF] =	sst s2  }
0xb: {  	[smem:$0x3FB0] =	sst s3  }
0xc: {  	[smem:$0x3FB1] =	sst s4  }
0xd: {  	[smem:$0x3FB2] =	sst s5  }
0xe: {  	[smem:$0x3FB3] =	sst s6  }
0xf: {  	[smem:$0x3FB4] =	sst s7  }
0x10: {  	[smem:$0x3FB5] =	sst s8  }
0x11: {  	[smem:$0x3FB6] =	sst s9;
	s0 =	simm.s32 @!p0 $0x0  }
0x12: {  	s1 =	sld [smem:$0x3F9C];
	s0 =	simm.s32 @p0 $0x1  }
0x13: {  	[smem:$0x3FB7] =	sst s0;
	s0 =	simm.s32 @!p1 $0x0  }
0x14: {  	s2 =	sld [smem:$0x3F9B];
	s0 =	simm.s32 @p1 $0x1  }
0x15: {  	[smem:$0x3FB8] =	sst s0;
	s0 =	simm.s32 @!p2 $0x0  }
0x16: {  	s3 =	sld [smem:$0x3FDB];
	s0 =	simm.s32 @p2 $0x1  }
0x17: {  	s4 =	simm.s32 $0x1BF5;
	[smem:$0x3FBA] =	sst s0  }
0x18: {  	s0 =	sld [smem:$0x3F9D];
	_ =	swait.ge [sflag:s4], $0x0  }
0x19: {  	s7 =	sld [smem:$0x3F9E]  }
0x1a: {  	s8 =	sadd.s32 $0xFFFFE003, lr  }
0x1b: {  	s9 =	sadd.s32 $0xFFFFFEF7, lr;
	s5 =	simm.s32 $0xFFFFFFFF;
	p2 =	slt.u32 s8, $0xFFFFF086  }
0x1c: {  	p1 =	slt.u32 s9, $0xF7A;
	s5 =	simm.s32 @!p2 $0x0  }
0x1d: {  	s5 =	simm.s32 @p1 $0x1;
	p0 =	seq.s32 s7, s2  }
0x1e: {  	s7 =	smul.u32 @!p0 $0xF7A, s2;
	p2 =	seq.s32 @!p0 s5, $0x0  }
0x1f: {  	s9 =	smul.u32 $0xF7A, s1;
	s8 =	simm.s32 @!p0 $0x1BF5;
	p2 =	por !p2, p0  }
0x20: {  	[sflag:s8] =	ssyncset.s32 @!p0 $0xFFFFF086;
	s6 =	sadd.s32 @!p0 s3, s7;
	s7 =	simm.s32 @!p0 $0x108  }
0x21: {  	s3 =	sadd.s32 s3, s9;
	s6 =	sadd.s32 @!p0 $0x88, s6;
	s7 =	simm.s32 @p2 $0x1082  }
0x22: {  	[simem:s7], [sflag:s8] =	dma.local @!p0 [hbm:s6], $0xF7A  }
0x23: {  	s9 =	sor.u32 $0xD0000000, s2;
	s6 =	simm.s32 $0x108;
	_ =	swait.ge @!p0 [sflag:s8], $0x0  }
0x24: {  	s3 =	sadd.s32 $0x88, s3;
	s6 =	simm.s32 @!p1 $0x1082;
	[sflag:s4] =	ssyncset.s32 $0xFFFFF086  }
0x25: {  	[simem:s6], [sflag:s4] =	dma.local [hbm:s3], $0xF7A  }
0x26: {  	[smem:$0x3F9E] =	sst s1;
	(tag) =	ssettag s2;
	_ =	strace s9  }
0x27: {  	s1 =	sld [smem:$0x3FAE]  }
0x28: {  	s2 =	sld [smem:$0x3FAF]  }
0x29: {  	s4 =	sld [smem:$0x3FB1]  }
0x2a: {  	p0 =	seq.s32 s5, $0x0;
	s5 =	sld [smem:$0x3FB2]  }
0x2b: {  	s6 =	sld [smem:$0x3FB3]  }
0x2c: {  	s7 =	sld [smem:$0x3FB4]  }
0x2d: {  	s3 =	simm.s32 $0x108;
	s8 =	sld [smem:$0x3FB5]  }
0x2e: {  	s3 =	simm.s32 @!p0 $0x1082;
	s9 =	sld [smem:$0x3FB6]  }
0x2f: {  	lr =	sadd.s32 s0, s3;
	s0 =	sld [smem:$0x3FAD]  }
0x30: {  	s3 =	sld [smem:$0x3FB0]  }
0x31: {  	[smem:$0x3FB9] =	sst s10  }
0x32: {  	s10 =	sld [smem:$0x3FB7];
	_ =	sdelay $0x3  }
0x33: {  	p0 =	seq.s32 s10, $0x1;
	s10 =	sld [smem:$0x3FB9];
	_ =	sdelay $0x3  }
0x34: {  	[smem:$0x3FB9] =	sst s10  }
0x35: {  	s10 =	sld [smem:$0x3FB8];
	_ =	sdelay $0x3  }
0x36: {  	p1 =	seq.s32 s10, $0x1;
	s10 =	sld [smem:$0x3FB9];
	_ =	sdelay $0x3  }
0x37: {  	[smem:$0x3FB9] =	sst s10  }
0x38: {  	s10 =	sld [smem:$0x3FBA]  }
0x39: {  	_ = 	snop;
	(pc) =	sbr.ind lr, $3  }
0x3a: {  	_ = 	snop  }
0x3b: {  	_ = 	snop  }
0x3c: {  	p2 =	seq.s32 s10, $0x1;
	s10 =	sld [smem:$0x3FB9]  }
0x3d: {  	_ =	shalt  }
0x3e: {  	_ =	shalt  }
0x3f: {  	_ =	shalt  }
0x40: {  	_ =	shalt  }
0x41: {  	_ =	shalt  }
0x42: {  	_ =	shalt  }
0x43: {  	_ =	shalt  }
0x44: {  	_ =	shalt  }
0x45: {  	_ =	shalt  }
0x46: {  	_ =	shalt  }
0x47: {  	_ =	shalt  }
0x48: {  	_ =	shalt  }
0x49: {  	_ =	shalt  }
0x4a: {  	_ =	shalt  }
0x4b: {  	_ =	shalt  }
0x4c: {  	_ =	shalt  }
0x4d: {  	_ =	shalt  }
0x4e: {  	_ =	shalt  }
0x4f: {  	_ =	shalt  }
0x50: {  	_ =	shalt  }
0x51: {  	_ =	shalt  }
0x52: {  	_ =	shalt  }
0x53: {  	_ =	shalt  }
0x54: {  	_ =	shalt  }
0x55: {  	_ =	shalt  }
0x56: {  	_ =	shalt  }
0x57: {  	_ =	shalt  }
0x58: {  	_ =	shalt  }
0x59: {  	_ =	shalt  }
0x5a: {  	_ =	shalt  }
0x5b: {  	_ =	shalt  }
0x5c: {  	_ =	shalt  }
0x5d: {  	_ =	shalt  }
0x5e: {  	_ =	shalt  }
0x5f: {  	_ =	shalt  }
0x60: {  	_ =	shalt  }
0x61: {  	_ =	shalt  }
0x62: {  	_ =	shalt  }
0x63: {  	_ =	shalt  }
0x64: {  	_ =	shalt  }
0x65: {  	_ =	shalt  }
0x66: {  	_ =	shalt  }
0x67: {  	_ =	shalt  }
0x68: {  	_ =	shalt  }
0x69: {  	_ =	shalt  }
0x6a: {  	_ =	shalt  }
0x6b: {  	_ =	shalt  }
0x6c: {  	_ =	shalt  }
0x6d: {  	_ =	shalt  }
0x6e: {  	_ =	shalt  }
0x6f: {  	_ =	shalt  }
0x70: {  	_ =	shalt  }
0x71: {  	_ =	shalt  }
0x72: {  	_ =	shalt  }
0x73: {  	_ =	shalt  }
0x74: {  	_ =	shalt  }
0x75: {  	_ =	shalt  }
0x76: {  	_ =	shalt  }
0x77: {  	_ =	shalt  }
0x78: {  	_ =	shalt  }
0x79: {  	_ =	shalt  }
0x7a: {  	_ =	shalt  }
0x7b: {  	_ =	shalt  }
0x7c: {  	_ =	shalt  }
0x7d: {  	_ =	shalt  }
0x7e: {  	_ =	shalt  }
0x7f: {  	_ =	shalt  }
0x80: {  	_ =	shalt  }
0x81: {  	_ =	shalt  }
0x82: {  	_ =	shalt  }
0x83: {  	_ =	shalt  }
0x84: {  	_ =	shalt  }
0x85: {  	_ =	shalt  }
0x86: {  	_ =	shalt  }
0x87: {  	_ =	shalt  }
.Lfunc_end0:
.L_simem_size_0:
called_computation_lowered:
.L_overlay_start_0:
0x88: {  	s2 =	sld [smem:$0x3FD9]  }
0x89: {  	s3 =	sld [smem:$0x3FFE];
	_ =	sdelay $0x1  }
0x8a: {  	s1 =	srdreg.scid  }
0x8b: {  	s0 =	sand.u32 $0x1, s1  }
0x8c: {  	s17 =	sshll.u32 s0, $0xA;
	s2 =	sadd.s32 s3, s2  }
0x8d: {  	s2 =	sadd.s32 s2, s17  }
0x8e: {  	[smem:$0x3FC5] =	sst s2  }
0x8f: {  	_ = 	snop  }
0x90: {  	s2 =	sld [smem:$0x3FC9]  }
0x91: {  	s18 =	sld [smem:$0x3FC8]  }
0x92: {  	s4 =	sld [smem:$0x3FC7]  }
0x93: {  	s5 =	sld [smem:$0x3FD0];
	(tm) =	ssettm $0x1  }
0x94: {  	s6 =	sld [smem:$0x3FFB];
	_ =	sdelay $0x3  }
0x95: {  	_ =	strace s6  }
0x96: {  	s6 =	sld [smem:$0x3FFC];
	_ =	sdelay $0x3  }
0x97: {  	_ =	strace s6  }
0x98: {  	s6 =	sld [smem:$0x3FFD];
	_ =	sdelay $0x3  }
0x99: {  	_ =	strace s6  }
0x9a: {  	_ =	strace $0x8FFFFFFF  }
0x9b: {  	s19 =	sld [smem:$0x3FDB];
	_ =	sdelay $0x1  }
0x9c: {  	s7 =	simm.s32 $_scs_section_size  }
0x9d: {  	s8 =	simm.s32 $_size__tile_overlayer_lowered;
	s9 =	simm.s32 $_tile_overlayer_lowered  }
0x9e: {  	s22 =	simm.s32 $0x1BFF;
	s21 =	sshll.u32 s9, $0x1;
	s6 =	sadd.s32 s7, s19  }
0x9f: {  	s10 =	simm.s32 $0x0;
	s20 =	sshll.u32 s8, $0x1;
	s8 =	sadd.s32 s21, s6  }
0xa0: {  	[timem:s10], [sflag:s22] =	dma.local [hbm:s8], s20  }
0xa1: {  	_ =	swait.ge [sflag:s22], s20  }
0xa2: {  	s7 =	ssub.s32 $0x0, s20;
	[sflag:s22] =	ssyncset.done $0x0  }
0xa3: {  	[sflag:s22] =	ssyncadd.s32 s7;
	_ =	sdelay $0x1  }
0xa4: {  	s23 =	simm.s32 $0x1B8B  }
0xa5: {  	_ =	swait.ge [sflag:s23], $0x1  }
0xa6: {  	[sflag:s23] =	ssyncset.done $0x0  }
0xa7: {  	s25 =	simm.s32 $0x1B8E;
	s24 =	sld [smem:$0x3FFE];
	[sflag:s23] =	ssyncadd.s32 $0xFFFFFFFF  }
0xa8: {  	s26 =	simm.s32 $execute0_lowered;
	[smem:$0x3FD2] =	sst s25  }
0xa9: {  	s8 =	sshll.u32 s26, $0x1;
	_ =	strace $0x80000046;
	[dreg:$0x1] =	wrdreg $0xFFFFFFFF  }
0xaa: {  	s28 =	simm.s32 $_size_execute0_lowered;
	s6 =	sadd.s32 s6, s8;
	[dreg:$0x0] =	wrdreg $0x0  }
0xab: {  	s8 =	sshll.u32 s28, $0x1;
	[dreg:$0x2] =	wrdreg s6  }
0xac: {  	[dreg:$0x3] =	wrdreg s8  }
0xad: {  	[dreg:$0x4] =	wrdreg $0xC0  }
0xae: {  	_ =	task [dreg:s10], $0x5FFFF  }
0xaf: {  	[dreg:$0x1] =	wrdreg $0xFFFFFFFF  }
0xb0: {  	[dreg:$0x0] =	wrdreg $0x60  }
0xb1: {  	[dreg:$0x2] =	wrdreg s2  }
0xb2: {  	[dreg:$0x3] =	wrdreg s18  }
0xb3: {  	[dreg:$0x4] =	wrdreg s4  }
0xb4: {  	[dreg:$0x5] =	wrdreg s24  }
0xb5: {  	[dreg:$0x6] =	wrdreg s5  }
0xb6: {  	[dreg:$0x7] =	wrdreg $0x19B000  }
0xb7: {  	[dreg:$0x8] =	wrdreg $0x1C3000  }
0xb8: {  	[dreg:$0x9] =	wrdreg $0x9  }
0xb9: {  	_ =	task.clear_ibuf [dreg:s10], $0xAFFFF;
	_ =	strace $0x90000046  }
0xba: {  	s29 =	simm.s32 $0x9;
	_ =	strace $0x80000048  }
0xbb: {  	_ =	swait.ge [sflag:s29], $0x1  }
0xbc: {  	[sflag:s29] =	ssyncadd.s32 $0xFFFFFFFF  }
0xbd: {  	_ =	strace $0x90000048  }
0xbe: {  	_ =	sfence  }
0xbf: {  	s30 =	sld [smem:$0x0];
	_ =	sdelay $0x2  }
0xc0: {  	s31 =	sshll.u32 s1, $0xD;
	s1 =	sshrl.u32 s1, $0x2  }
0xc1: {  	s3 =	sand.u32 $0x4000, s31;
	s1 =	sadd.s32 s1, s30  }
0xc2: {  	s0 =	sor.u32 s3, s0;
	s1 =	sshll.u32 s1, $0x11  }
0xc3: {  	s0 =	sor.u32 s1, s0  }
0xc4: {  	s0 =	sadd.s32 $0x8F2B, s0  }
0xc5: {  	[sflag:s0] =	ssyncadd.remote.s32 $0x1  }
0xc6: {  	_ =	sfence.sel $0xFFFF  }
0xc7: {  	[dreg:$0x0] =	wrdreg $0xFFFFFFFF;
	(pc) =	sbr.abs _section_cstart, $3  }
0xc8: {  	[dreg:$0x1] =	wrdreg $0xFFFFFFFF  }
0xc9: {  	_ =	task.clear_ibuf [dreg:s10], $0x2FFFF;
	_ =	strace $0x9FFFFFFF  }
0xca: {  	(tm) =	ssettm $0x7FFFFFFF  }
0xcb: {  	_ =	shalt  }
tec
execute0_lowered:
.L_overlay_start_1:
0x0: {  	(tag) =	ssettag $0x1  }
0x1: {  	s0 =	rddreg [dreg:$0x0]  }
0x2: {  	s1 =	rddreg [dreg:$0x1]  }
0x3: {  	s4 =	rddreg [dreg:$0x2]  }
0x4: {  	s5 =	rddreg [dreg:$0x3]  }
0x5: {  	s2 =	rddreg [dreg:$0x4]  }
0x6: {  	s7 =	rddreg [dreg:$0x5]  }
0x7: {  	s8 =	rddreg [dreg:$0x6];
	s3 =	simm.s32 $0x0;
	s6 =	srdreg.scid  }
0x8: {  	s14 =	stileid.u32;
	s28 =	simm.s32 $0x7700;
	s31 =	simm.s32 $0x4  }
0x9: {  	[smem:$0x7FF] =	sst s3;
	s9 =	sand.u32 $0x1, s6;
	s6 =	smul.u32 $0x2710, s14  }
0xa: {  	s25 =	sadd.s32 $0x400, s5;
	s12 =	sshrl.u32 s14, $0x3;
	s13 =	smul.u32 $0x280, s14  }
0xb: {  	s5 =	sadd.s32 $0xA00, s5;
	s30 =	sshll.u32 s14, $0x7;
	s16 =	smul.u32 $0x1400, s14  }
0xc: {  	_ =	strace $0x80000047;
	[dreg:$0x8] =	wrdreg s25;
	s26 =	smul.u32 $0x14000, s12  }
0xd: {  	s10 =	ssub.s32 $0x2, s9;
	[dreg:$0x9] =	wrdreg s5;
	s17 =	smul.u32 $0x140, s9  }
0xe: {  	s15 =	sand.u32 $0x380, s30;
	s20 =	sshll.u32 s9, $0xB;
	s25 =	smul.u32 $0x5000, s14  }
0xf: {  	s30 =	smul.u32 $0x2800, s9;
	s11 =	sshrl.u32 s10, $0x1;
	s29 =	sshrl.u32 s6, $0x3  }
0x10: {  	s18 =	sadd.s32 $0x2700, s6;
	s21 =	sadd.s32 s16, s20;
	s5 =	ssub.s32 s10, s11  }
0x11: {  	v0 =	vlaneseq.u32;
	s1 =	sadd.s32 s1, s29;
	s4 =	sadd.s32 s4, s29;
	s12 =	sadd.s32 s17, s13  }
0x12: {  	s22 =	sadd.s32 s21, s7;
	v1 =	vor.u32 s18, v0;
	s18 =	simm.s32 $0x2;
	[dreg:$0xa] =	wrdreg s1  }
0x13: {  	s17 =	simm.s32 $0x0;
	[dreg:$0xb] =	wrdreg s4;
	s1 =	sor.u32 s15, s26  }
0x14: {  	[dreg:$0xe] =	wrdreg s22;
	s23 =	sshll.u32 s12, $0x5;
	s5 =	smax.u32 s5, $0x1  }
0x15: {  	p0 =	sgt.u32 s12, $0x2620;
	p1 =	slt.u32 s12, $0x2671;
	p2 =	sgt.u32 s12, $0x2670  }
0x16: {  	p3 =	sgt.u32 s12, $0x25D0;
	s19 =	sadd.s32 s1, s7;
	[dreg:$0x14] =	wrdreg s5  }
0x17: {  	s1 =	sadd.s32 s1, s8;
	s7 =	sshll.u32 s9, $0x6;
	[dreg:$0xc] =	wrdreg s19  }
0x18: {  	s24 =	sadd.s32 s2, s23;
	p4 =	sgt.u32 @!p0 s12, $0x25D0;
	[dreg:$0xd] =	wrdreg s1  }
0x19: {  	s23 =	simm.s32 $0xFA00;
	s1 =	sadd.s32 s21, s8;
	[dreg:$0x10] =	wrdreg s24  }
0x1a: {  	s26 =	sadd.s32 $0xA00, s24;
	s29 =	sadd.s32 $0x1400, s24;
	[dreg:$0xf] =	wrdreg s1  }
.Ltmp0:
0x1b: {  	s8 =	sadd.s32 $0x1E00, s24;
	[dreg:$0x11] =	wrdreg s26;
	(pc) =	sbr.rel .LBB2_1-.Ltmp0, $4  }
0x1c: {  	s24 =	simm.s32 $0x4F00;
	[dreg:$0x12] =	wrdreg s29;
	s1 =	sadd.s32 s30, s25  }
0x1d: {  	p4 =	por p4, p0;
	[dreg:$0x15] =	wrdreg s1;
	s1 =	simm.s32 @!p3 $0x0  }
0x1e: {  	[dreg:$0x13] =	wrdreg s8;
	s8 =	sshll.u32 s9, $0x9;
	s1 =	simm.s32 @p3 $0x1  }
0x1f: {  	v2 =	vimm.f32 $0.0e+00;
	s25 =	simm.s32 $0x9F00;
	s26 =	simm.s32 $0x1;
	[smem:$0x7FD] =	sst s1  }
.LBB2_27:
0x20: {  	s17 =	sadd.s32 $0x1, s17;
	s1 =	rddreg [dreg:$0x14]  }
0x21: {  	p3 =	sne.s32 s17, s1  }
.Ltmp1:
0x22: {  	_ = 	snop;
	(pc) =	sbr.rel @!p3 .LBB2_28-.Ltmp1, $1  }
0x23: {  	_ =	sdelay $0x3  }
.LBB2_1:
0x24: {  	s1 =	rddreg [dreg:$0xa]  }
0x25: {  	[tilespmem:s3], [sflag:$0x1] =	stream.linear.gather [hbm4b:s1+s3], $0x2710, $0x38;
	[tilespmem:$0x1EB00] =	vst v63  }
0x26: {  	s22 =	rddreg [dreg:$0xb];
	s4 =	simm.s32 $0x2780  }
0x27: {  	[tilespmem:s4], [sflag:$0x1] =	stream.linear.gather [hbm4b:s22+s3], $0x2710, $0x38;
	[tilespmem:$0x1EB00] =	vst v63  }
0x28: {  	s29 =	rddreg [dreg:$0x8]  }
0x29: {  	[tilespmem:s24], [sflag:$0x1] =	stream.linear.gather [hbm4b:s29+s3], $0x2800, $0x38;
	[tilespmem:$0x1EB00] =	vst v63  }
0x2a: {  	s30 =	rddreg [dreg:$0x9]  }
0x2b: {  	[tilespmem:s25], [sflag:$0x1] =	stream.linear.gather [hbm4b:s30+s3], $0x2800, $0x38;
	[tilespmem:$0x1EB00] =	vst v63  }
0x2c: {  	_ =	swait.ge [sflag:s26], $0x2710  }
0x2d: {  	[sflag:s26] =	ssyncset.done $0x0  }
0x2e: {  	[sflag:s26] =	ssyncadd.s32 $0xFFFFD8F0  }
0x2f: {  	_ =	swait.ge [sflag:s26], $0x2710  }
0x30: {  	[sflag:s26] =	ssyncset.done $0x0  }
0x31: {  	[sflag:s26] =	ssyncadd.s32 $0xFFFFD8F0  }
0x32: {  	_ =	swait.ge [sflag:s26], $0x2800  }
.Ltmp2:
0x33: {  	[sflag:s26] =	ssyncset.done $0x0;
	(pc) =	sbr.rel .LBB2_2-.Ltmp2, $4  }
0x34: {  	[sflag:s26] =	ssyncadd.s32 $0xFFFFD800  }
0x35: {  	_ =	swait.ge [sflag:s26], $0x2800  }
0x36: {  	[sflag:s26] =	ssyncset.done $0x0  }
0x37: {  	s5 =	simm.s32 $0x0;
	[sflag:s26] =	ssyncadd.s32 $0xFFFFD800  }
.LBB2_8:
0x38: {  	s5 =	sadd.s32 $0x1, s5  }
0x39: {  	p5 =	sne.s32 s5, $0x9C  }
.Ltmp3:
0x3a: {  	_ = 	snop;
	(pc) =	sbr.rel @!p5 .LBB2_9-.Ltmp3, $1  }
0x3b: {  	_ =	sdelay $0x3  }
.LBB2_2:
0x3c: {  	s1 =	sshll.u32 s5, $0x6  }
0x3d: {  	v12 =	vld [tilespmem:s1+$0x0];
	_ =	sdelay $0x5  }
0x3e: {  	s4 =	sadd.s32 s6, s1  }
0x3f: {  	v14 =	vor.u32 s4, v0  }
0x40: {  	v13 =	vld [tilespmem:s1+$0x2780];
	[tilespmem:v12+s25+$0x0] =	vst.idx.msk $0xffff, v14  }
0x41: {  	v9 =	vld [tilespmem:s1+$0x10];
	_ =	sdelay $0x5  }
0x42: {  	s9 =	sadd.s32 $0x10, s4  }
0x43: {  	v11 =	vor.u32 s9, v0  }
0x44: {  	v10 =	vld [tilespmem:s1+$0x2790];
	[tilespmem:v9+s25+$0x0] =	vst.idx.msk $0xffff, v11  }
0x45: {  	v6 =	vld [tilespmem:s1+$0x20];
	_ =	sdelay $0x5  }
0x46: {  	s29 =	sadd.s32 $0x20, s4  }
0x47: {  	v8 =	vor.u32 s29, v0  }
0x48: {  	v7 =	vld [tilespmem:s1+$0x27A0];
	[tilespmem:v6+s25+$0x0] =	vst.idx.msk $0xffff, v8  }
0x49: {  	v3 =	vld [tilespmem:s1+$0x30];
	_ =	sdelay $0x5  }
0x4a: {  	s4 =	sadd.s32 $0x30, s4  }
0x4b: {  	v5 =	vor.u32 s4, v0  }
0x4c: {  	v4 =	vld [tilespmem:s1+$0x27B0];
	[tilespmem:v3+s25+$0x0] =	vst.idx.msk $0xffff, v5  }
0x4d: {  	v15 =	vld.idx.msk [tilespmem:v12+s24+$0x0], $0xffff  }
0x4e: {  	v16 =	vld.idx.msk [tilespmem:v12+s28+$0x0], $0xffff;
	_ =	sdelay $0x1  }
0x4f: {  	v17 =	vld.idx.msk [tilespmem:v12+s25+$0x0], $0xffff;
	_ =	sdelay $0x2  }
0x50: {  	vm0 =	veq.f32 v13, v15;
	vm1 =	vgt.s32 v14, v16  }
0x51: {  	vm2 =	vgt.f32 v13, v15;
	vm0 =	vmand vm0, vm1  }
0x52: {  	vm1 =	veq.s32 v17, v14;
	vm0 =	vmor vm2, vm0  }
0x53: {  	vm1 =	vmand vm1, vm0;
	_ =	sdelay $0x3  }
0x54: {  	v59 =	vld.idx.msk [tilespmem:v6+s25+$0x0], $0xffff  }
0x55: {  	v18 =	vld.idx.msk [tilespmem:v3+s25+$0x0], $0xffff  }
0x56: {  	v15 =	vld.idx.msk [tilespmem:v9+s25+$0x0], $0xffff;
	[tilespmem:v12+s24+$0x0] =	vst.idx.msk vm1, v13  }
0x57: {  	[tilespmem:v12+s28+$0x0] =	vst.idx.msk vm1, v14  }
0x58: {  	v19 =	vld.idx.msk [tilespmem:v9+s24+$0x0], $0xffff  }
0x59: {  	v20 =	vld.idx.msk [tilespmem:v9+s28+$0x0], $0xffff;
	_ =	sdelay $0x4  }
0x5a: {  	vm1 =	veq.f32 v10, v19;
	vm2 =	vgt.s32 v11, v20  }
0x5b: {  	vm3 =	vgt.f32 v10, v19;
	vm1 =	vmand vm1, vm2  }
0x5c: {  	vm2 =	veq.s32 v15, v11;
	vm1 =	vmor vm3, vm1  }
0x5d: {  	vm2 =	vmand vm2, vm1;
	_ =	sdelay $0x5  }
0x5e: {  	[tilespmem:v9+s24+$0x0] =	vst.idx.msk vm2, v10  }
0x5f: {  	[tilespmem:v9+s28+$0x0] =	vst.idx.msk vm2, v11  }
0x60: {  	v60 =	vld.idx.msk [tilespmem:v6+s24+$0x0], $0xffff  }
0x61: {  	v61 =	vld.idx.msk [tilespmem:v6+s28+$0x0], $0xffff;
	_ =	sdelay $0x4  }
0x62: {  	vm2 =	veq.f32 v7, v60;
	vm3 =	vgt.s32 v8, v61  }
0x63: {  	vm4 =	vgt.f32 v7, v60;
	vm2 =	vmand vm2, vm3  }
0x64: {  	vm3 =	veq.s32 v59, v8;
	vm4 =	vmor vm4, vm2  }
0x65: {  	vm2 =	vmand vm3, vm4;
	_ =	sdelay $0x5  }
0x66: {  	[tilespmem:v6+s24+$0x0] =	vst.idx.msk vm2, v7  }
0x67: {  	[tilespmem:v6+s28+$0x0] =	vst.idx.msk vm2, v8  }
0x68: {  	v62 =	vld.idx.msk [tilespmem:v3+s24+$0x0], $0xffff  }
0x69: {  	v63 =	vld.idx.msk [tilespmem:v3+s28+$0x0], $0xffff;
	_ =	sdelay $0x2  }
0x6a: {  	vm5 =	vne.s32 v15, v11;
	vm2 =	vne.s32 v17, v14  }
0x6b: {  	vm3 =	vmand vm0, vm2;
	vm2 =	vmand vm1, vm5  }
0x6c: {  	vm0 =	vne.s32 v59, v8;
	vm5 =	veq.f32 v4, v62;
	vm6 =	vgt.s32 v5, v63  }
0x6d: {  	vm1 =	vmand vm4, vm0;
	vm0 =	vgt.f32 v4, v62;
	vm4 =	vmand vm5, vm6  }
0x6e: {  	vm15 =	vmor vm3, vm2;
	vm5 =	vne.s32 v18, v5;
	vm4 =	vmor vm0, vm4  }
0x6f: {  	vm0 =	vmand vm4, vm5;
	vm5 =	vmor vm15, vm1  }
0x70: {  	vm5 =	vmor vm5, vm0  }
0x71: {  	v15 =	vmpcnt.ones.xlane vm5;
	_ =	sdelay $0x1  }
0x72: {  	(v2sf) =	vpush v15, $0x0;
	_ =	sdelay $0xc  }
0x73: {  	vm5 =	veq.s32 v18, v5  }
0x74: {  	vm4 =	vmand vm5, vm4  }
0x75: {  	s30 =	spop (v2sf)  }
0x76: {  	p5 =	slt.s32 s30, $0x1  }
.Ltmp4:
0x77: {  	_ = 	snop;
	(pc) =	sbr.rel @p5 .LBB2_8-.Ltmp4, $3  }
0x78: {  	_ =	sdelay $0x1  }
0x79: {  	[tilespmem:v3+s24+$0x0] =	vst.idx.msk vm4, v4  }
0x7a: {  	[tilespmem:v3+s28+$0x0] =	vst.idx.msk vm4, v5  }
0x7b: {  	v15 =	vmpcnt.ones.xlane vm3;
	_ =	sdelay $0x1  }
0x7c: {  	(v2sf) =	vpush v15, $0x0;
	_ =	sdelay $0xe  }
0x7d: {  	s1 =	spop (v2sf)  }
0x7e: {  	p5 =	sgt.s32 s1, $0x0  }
.Ltmp5:
0x7f: {  	_ = 	snop;
	(pc) =	sbr.rel @!p5 .LBB2_4-.Ltmp5, $1  }
0x80: {  	_ =	sdelay $0x3  }
.LBB2_29:
0x81: {  	[tilespmem:v12+s25+$0x0] =	vst.idx.msk vm3, v14  }
0x82: {  	v15 =	vld.idx.msk [tilespmem:v12+s25+$0x0], $0xffff  }
0x83: {  	v16 =	vld.idx.msk [tilespmem:v12+s24+$0x0], $0xffff  }
0x84: {  	v17 =	vld.idx.msk [tilespmem:v12+s28+$0x0], $0xffff;
	_ =	sdelay $0x4  }
0x85: {  	vm4 =	veq.s32 v15, v14;
	vm5 =	veq.f32 v13, v16;
	vm6 =	vgt.s32 v14, v17  }
0x86: {  	vm7 =	vgt.f32 v13, v16;
	vm4 =	vmand vm3, vm4;
	vm5 =	vmand vm5, vm6  }
0x87: {  	vm5 =	vmor vm7, vm5;
	vm3 =	vmxor vm3, vm4  }
0x88: {  	vm3 =	vmand vm3, vm5  }
0x89: {  	v15 =	vmpcnt.ones.xlane vm3;
	_ =	sdelay $0x1  }
0x8a: {  	(v2sf) =	vpush v15, $0x0;
	_ =	sdelay $0xd  }
0x8b: {  	vm4 =	vmand vm4, vm5  }
0x8c: {  	s1 =	spop (v2sf)  }
0x8d: {  	p5 =	sgt.s32 s1, $0x0  }
.Ltmp6:
0x8e: {  	_ = 	snop;
	(pc) =	sbr.rel @p5 .LBB2_29-.Ltmp6, $3  }
0x8f: {  	_ =	sdelay $0x1  }
0x90: {  	[tilespmem:v12+s24+$0x0] =	vst.idx.msk vm4, v13  }
0x91: {  	[tilespmem:v12+s28+$0x0] =	vst.idx.msk vm4, v14  }
.LBB2_4:
0x92: {  	v12 =	vmpcnt.ones.xlane vm2;
	_ =	sdelay $0x1  }
0x93: {  	(v2sf) =	vpush v12, $0x0;
	_ =	sdelay $0xe  }
0x94: {  	s1 =	spop (v2sf)  }
0x95: {  	p5 =	sgt.s32 s1, $0x0  }
.Ltmp7:
0x96: {  	_ = 	snop;
	(pc) =	sbr.rel @!p5 .LBB2_5-.Ltmp7, $1  }
0x97: {  	_ =	sdelay $0x3  }
.LBB2_30:
0x98: {  	[tilespmem:v9+s25+$0x0] =	vst.idx.msk vm2, v11  }
0x99: {  	v12 =	vld.idx.msk [tilespmem:v9+s25+$0x0], $0xffff  }
0x9a: {  	v13 =	vld.idx.msk [tilespmem:v9+s24+$0x0], $0xffff  }
0x9b: {  	v14 =	vld.idx.msk [tilespmem:v9+s28+$0x0], $0xffff;
	_ =	sdelay $0x4  }
0x9c: {  	vm3 =	veq.s32 v12, v11;
	vm4 =	veq.f32 v10, v13;
	vm5 =	vgt.s32 v11, v14  }
0x9d: {  	vm6 =	vgt.f32 v10, v13;
	vm3 =	vmand vm2, vm3;
	vm4 =	vmand vm4, vm5  }
0x9e: {  	vm4 =	vmor vm6, vm4;
	vm2 =	vmxor vm2, vm3  }
0x9f: {  	vm2 =	vmand vm2, vm4  }
0xa0: {  	v63 =	vmpcnt.ones.xlane vm2;
	_ =	sdelay $0x1  }
0xa1: {  	(v2sf) =	vpush v63, $0x0;
	_ =	sdelay $0xd  }
0xa2: {  	vm3 =	vmand vm3, vm4  }
0xa3: {  	s1 =	spop (v2sf)  }
0xa4: {  	p5 =	sgt.s32 s1, $0x0  }
.Ltmp8:
0xa5: {  	_ = 	snop;
	(pc) =	sbr.rel @p5 .LBB2_30-.Ltmp8, $3  }
0xa6: {  	_ =	sdelay $0x1  }
0xa7: {  	[tilespmem:v9+s24+$0x0] =	vst.idx.msk vm3, v10  }
0xa8: {  	[tilespmem:v9+s28+$0x0] =	vst.idx.msk vm3, v11  }
.LBB2_5:
0xa9: {  	v9 =	vmpcnt.ones.xlane vm1;
	_ =	sdelay $0x1  }
0xaa: {  	(v2sf) =	vpush v9, $0x0;
	_ =	sdelay $0xe  }
0xab: {  	s1 =	spop (v2sf)  }
0xac: {  	p5 =	sgt.s32 s1, $0x0  }
.Ltmp9:
0xad: {  	_ = 	snop;
	(pc) =	sbr.rel @!p5 .LBB2_6-.Ltmp9, $1  }
0xae: {  	_ =	sdelay $0x3  }
.LBB2_31:
0xaf: {  	[tilespmem:v6+s25+$0x0] =	vst.idx.msk vm1, v8  }
0xb0: {  	v9 =	vld.idx.msk [tilespmem:v6+s25+$0x0], $0xffff  }
0xb1: {  	v10 =	vld.idx.msk [tilespmem:v6+s24+$0x0], $0xffff  }
0xb2: {  	v11 =	vld.idx.msk [tilespmem:v6+s28+$0x0], $0xffff;
	_ =	sdelay $0x4  }
0xb3: {  	vm2 =	veq.s32 v9, v8;
	vm3 =	veq.f32 v7, v10;
	vm4 =	vgt.s32 v8, v11  }
0xb4: {  	vm5 =	vgt.f32 v7, v10;
	vm2 =	vmand vm1, vm2;
	vm3 =	vmand vm3, vm4  }
0xb5: {  	vm3 =	vmor vm5, vm3;
	vm1 =	vmxor vm1, vm2  }
0xb6: {  	vm1 =	vmand vm1, vm3  }
0xb7: {  	v9 =	vmpcnt.ones.xlane vm1;
	_ =	sdelay $0x1  }
0xb8: {  	(v2sf) =	vpush v9, $0x0;
	_ =	sdelay $0xd  }
0xb9: {  	vm2 =	vmand vm2, vm3  }
0xba: {  	s1 =	spop (v2sf)  }
0xbb: {  	p5 =	sgt.s32 s1, $0x0  }
.Ltmp10:
0xbc: {  	_ = 	snop;
	(pc) =	sbr.rel @p5 .LBB2_31-.Ltmp10, $3  }
0xbd: {  	_ =	sdelay $0x1  }
0xbe: {  	[tilespmem:v6+s24+$0x0] =	vst.idx.msk vm2, v7  }
0xbf: {  	[tilespmem:v6+s28+$0x0] =	vst.idx.msk vm2, v8  }
.LBB2_6:
0xc0: {  	v6 =	vmpcnt.ones.xlane vm0;
	_ =	sdelay $0x1  }
0xc1: {  	(v2sf) =	vpush v6, $0x0;
	_ =	sdelay $0xe  }
0xc2: {  	s1 =	spop (v2sf)  }
0xc3: {  	p5 =	sgt.s32 s1, $0x0  }
.Ltmp11:
0xc4: {  	_ = 	snop;
	(pc) =	sbr.rel @!p5 .LBB2_8-.Ltmp11, $1  }
0xc5: {  	_ =	sdelay $0x3  }
.LBB2_7:
0xc6: {  	[tilespmem:v3+s25+$0x0] =	vst.idx.msk vm0, v5  }
0xc7: {  	v6 =	vld.idx.msk [tilespmem:v3+s25+$0x0], $0xffff  }
0xc8: {  	v7 =	vld.idx.msk [tilespmem:v3+s24+$0x0], $0xffff  }
0xc9: {  	v8 =	vld.idx.msk [tilespmem:v3+s28+$0x0], $0xffff;
	_ =	sdelay $0x4  }
0xca: {  	vm1 =	veq.s32 v6, v5;
	vm2 =	veq.f32 v4, v7;
	vm3 =	vgt.s32 v5, v8  }
0xcb: {  	vm4 =	vgt.f32 v4, v7;
	vm1 =	vmand vm0, vm1;
	vm2 =	vmand vm2, vm3  }
0xcc: {  	vm2 =	vmor vm4, vm2;
	vm0 =	vmxor vm0, vm1  }
0xcd: {  	vm0 =	vmand vm0, vm2  }
0xce: {  	v6 =	vmpcnt.ones.xlane vm0;
	_ =	sdelay $0x1  }
0xcf: {  	(v2sf) =	vpush v6, $0x0;
	_ =	sdelay $0xd  }
0xd0: {  	vm1 =	vmand vm1, vm2  }
0xd1: {  	s1 =	spop (v2sf)  }
0xd2: {  	p5 =	sgt.s32 s1, $0x0  }
.Ltmp12:
0xd3: {  	_ = 	snop;
	(pc) =	sbr.rel @p5 .LBB2_7-.Ltmp12, $3  }
0xd4: {  	_ =	sdelay $0x1  }
0xd5: {  	[tilespmem:v3+s24+$0x0] =	vst.idx.msk vm1, v4  }
0xd6: {  	[tilespmem:v3+s28+$0x0] =	vst.idx.msk vm1, v5  }
.Ltmp13:
0xd7: {  	_ = 	snop;
	(pc) =	sbr.rel .LBB2_8-.Ltmp13, $1  }
0xd8: {  	_ =	sdelay $0x3  }
.LBB2_9:
0xd9: {  	v3 =	vld [tilespmem:$0x2700];
	_ =	sdelay $0x7  }
0xda: {  	v4 =	vld [tilespmem:$0x4E80];
	[tilespmem:v3+s25+$0x0] =	vst.idx.msk $0xffff, v1  }
0xdb: {  	v5 =	vld.idx.msk [tilespmem:v3+s24+$0x0], $0xffff  }
0xdc: {  	v6 =	vld.idx.msk [tilespmem:v3+s28+$0x0], $0xffff;
	_ =	sdelay $0x1  }
0xdd: {  	v7 =	vld.idx.msk [tilespmem:v3+s25+$0x0], $0xffff;
	_ =	sdelay $0x2  }
0xde: {  	vm0 =	vgt.s32 v1, v6;
	vm1 =	veq.f32 v4, v5  }
0xdf: {  	vm2 =	vgt.f32 v4, v5;
	vm0 =	vmand vm1, vm0  }
0xe0: {  	vm1 =	vne.s32 v7, v1;
	vm2 =	vmor vm2, vm0  }
0xe1: {  	vm0 =	vmand vm2, vm1  }
0xe2: {  	v5 =	vmpcnt.ones.xlane vm0;
	_ =	sdelay $0x1  }
0xe3: {  	(v2sf) =	vpush v5, $0x0;
	_ =	sdelay $0xc  }
0xe4: {  	vm1 =	veq.s32 v7, v1  }
0xe5: {  	vm1 =	vmand vm1, vm2  }
0xe6: {  	s1 =	spop (v2sf)  }
0xe7: {  	p5 =	slt.s32 s1, $0x1  }
.Ltmp14:
0xe8: {  	_ = 	snop;
	(pc) =	sbr.rel @p5 .LBB2_11-.Ltmp14, $3  }
0xe9: {  	_ =	sdelay $0x1  }
0xea: {  	[tilespmem:v3+s24+$0x0] =	vst.idx.msk vm1, v4  }
0xeb: {  	[tilespmem:v3+s28+$0x0] =	vst.idx.msk vm1, v1  }
.LBB2_10:
0xec: {  	[tilespmem:v3+s25+$0x0] =	vst.idx.msk vm0, v1  }
0xed: {  	v5 =	vld.idx.msk [tilespmem:v3+s25+$0x0], $0xffff  }
0xee: {  	v6 =	vld.idx.msk [tilespmem:v3+s24+$0x0], $0xffff  }
0xef: {  	v7 =	vld.idx.msk [tilespmem:v3+s28+$0x0], $0xffff;
	_ =	sdelay $0x4  }
0xf0: {  	vm1 =	veq.s32 v5, v1;
	vm2 =	veq.f32 v4, v6;
	vm3 =	vgt.s32 v1, v7  }
0xf1: {  	vm4 =	vgt.f32 v4, v6;
	vm1 =	vmand vm0, vm1;
	vm2 =	vmand vm2, vm3  }
0xf2: {  	vm2 =	vmor vm4, vm2;
	vm0 =	vmxor vm0, vm1  }
0xf3: {  	vm0 =	vmand vm0, vm2  }
0xf4: {  	v5 =	vmpcnt.ones.xlane vm0;
	_ =	sdelay $0x1  }
0xf5: {  	(v2sf) =	vpush v5, $0x0;
	_ =	sdelay $0xd  }
0xf6: {  	vm1 =	vmand vm1, vm2  }
0xf7: {  	s1 =	spop (v2sf)  }
0xf8: {  	p5 =	sgt.s32 s1, $0x0  }
.Ltmp15:
0xf9: {  	_ = 	snop;
	(pc) =	sbr.rel @p5 .LBB2_10-.Ltmp15, $3  }
0xfa: {  	_ =	sdelay $0x1  }
0xfb: {  	[tilespmem:v3+s24+$0x0] =	vst.idx.msk vm1, v4  }
0xfc: {  	[tilespmem:v3+s28+$0x0] =	vst.idx.msk vm1, v1  }
.LBB2_11:
0xfd: {  	s1 =	rddreg [dreg:$0xc];
	s4 =	simm.s32 $0x80;
	s5 =	simm.s32 $0x400  }
0xfe: {  	[spmem:s1] =	stream.strided.scatter [tilespmem:s24], [sflag:$0x4], $0x2800, s5, s4, $0x38;
	[tilespmem:$0x1EB00] =	vst v63  }
0xff: {  	_ =	swait.ge [sflag:s31], $0x2800  }
0x100: {  	[sflag:s31] =	ssyncset.done $0x0  }
0x101: {  	s13 =	rddreg [dreg:$0xd];
	[sflag:s31] =	ssyncadd.s32 $0xFFFFD800  }
0x102: {  	[spmem:s13] =	stream.strided.scatter [tilespmem:s28], [sflag:$0x4], $0x2800, s5, s4, $0x38;
	[tilespmem:$0x1EB00] =	vst v63  }
0x103: {  	_ =	swait.ge [sflag:s31], $0x2800  }
0x104: {  	[sflag:s31] =	ssyncset.done $0x0  }
0x105: {  	[sflag:s31] =	ssyncadd.s32 $0xFFFFD800  }
0x106: {  	s15 =	simm.s32 $0xC00;
	[bflag:$0x0] =	sbarrier.arrive $0xFFFF  }
0x107: {  	s16 =	simm.s32 $0x14000;
	s9 =	simm.s32 $0xC700;
	s14 =	rddreg [dreg:$0xe]  }
0x108: {  	[tilespmem:s9], [sflag:$0x4] =	stream.strided.gather [spmem:s14], $0x1800, s16, s15, $0x38;
	[tilespmem:$0x1EB00] =	vst v63  }
0x109: {  	_ =	swait.ge [sflag:s31], $0x1800  }
0x10a: {  	[sflag:s31] =	ssyncset.done $0x0  }
0x10b: {  	s20 =	simm.s32 $0xDF00;
	s19 =	rddreg [dreg:$0xf];
	[sflag:s31] =	ssyncadd.s32 $0xFFFFE800  }
0x10c: {  	[tilespmem:s20], [sflag:$0x4] =	stream.strided.gather [spmem:s19], $0x1800, s16, s15, $0x38;
	[tilespmem:$0x1EB00] =	vst v63  }
0x10d: {  	_ =	swait.ge [sflag:s31], $0x1800  }
0x10e: {  	s21 =	sand.u32 $0x70, s7;
	s22 =	sand.u32 $0x1C00, s8;
	[sflag:s31] =	ssyncset.done $0x0  }
0x10f: {  	s29 =	sor.u32 s21, s22;
	[sflag:s31] =	ssyncadd.s32 $0xFFFFE800  }
0x110: {  	v3 =	vld [tilespmem:s29+$0xC780]  }
0x111: {  	v4 =	vld [tilespmem:s29+$0xDF00]  }
0x112: {  	v5 =	vld [tilespmem:s29+$0xDF80]  }
0x113: {  	v6 =	vld [tilespmem:s29+$0xC700];
	_ =	sdelay $0x2  }
0x114: {  	v7 =	vld [tilespmem:s29+$0xE000]  }
0x115: {  	v8 =	vld [tilespmem:s29+$0xC800]  }
0x116: {  	vm0 =	vgt.s32 v5, v4;
	vm1 =	veq.f32 v3, v6  }
0x117: {  	vm2 =	vgt.f32 v3, v6;
	vm0 =	vmand vm1, vm0  }
0x118: {  	v9 =	vld [tilespmem:s29+$0xE080];
	vm0 =	vmor vm2, vm0  }
0x119: {  	v10 =	vld [tilespmem:s29+$0xC880];
	v3 =	vsel vm0, v3, v6;
	v4 =	vsel vm0, v5, v4  }
0x11a: {  	vm0 =	veq.f32 v8, v3;
	vm1 =	vgt.s32 v7, v4  }
0x11b: {  	vm2 =	vgt.f32 v8, v3;
	vm0 =	vmand vm0, vm1  }
0x11c: {  	v5 =	vld [tilespmem:s29+$0xE100];
	vm0 =	vmor vm2, vm0  }
0x11d: {  	v6 =	vld [tilespmem:s29+$0xC900];
	v3 =	vsel vm0, v8, v3;
	v4 =	vsel vm0, v7, v4  }
0x11e: {  	vm0 =	veq.f32 v10, v3;
	vm1 =	vgt.s32 v9, v4  }
0x11f: {  	vm2 =	vgt.f32 v10, v3;
	vm0 =	vmand vm0, vm1  }
0x120: {  	v7 =	vld [tilespmem:s29+$0xE180];
	vm0 =	vmor vm2, vm0  }
0x121: {  	v8 =	vld [tilespmem:s29+$0xC980];
	v3 =	vsel vm0, v10, v3;
	v4 =	vsel vm0, v9, v4  }
0x122: {  	vm0 =	veq.f32 v6, v3;
	vm1 =	vgt.s32 v5, v4  }
0x123: {  	vm2 =	vgt.f32 v6, v3;
	vm0 =	vmand vm0, vm1  }
0x124: {  	v58 =	vld [tilespmem:s29+$0xE200];
	vm0 =	vmor vm2, vm0  }
0x125: {  	v59 =	vld [tilespmem:s29+$0xCA00];
	v3 =	vsel vm0, v6, v3;
	v4 =	vsel vm0, v5, v4  }
0x126: {  	s30 =	sor.u32 s8, s7;
	vm0 =	veq.f32 v8, v3;
	vm1 =	vgt.s32 v7, v4  }
0x127: {  	s1 =	sor.u32 $0x380, s30;
	vm2 =	vgt.f32 v8, v3;
	vm0 =	vmand vm0, vm1  }
0x128: {  	v5 =	vld [tilespmem:s1+$0xDF00];
	vm0 =	vmor vm2, vm0  }
0x129: {  	v6 =	vld [tilespmem:s1+$0xC700];
	v3 =	vsel vm0, v8, v3;
	v4 =	vsel vm0, v7, v4  }
0x12a: {  	vm0 =	veq.f32 v59, v3;
	vm1 =	vgt.s32 v58, v4  }
0x12b: {  	vm2 =	vgt.f32 v59, v3;
	vm0 =	vmand vm0, vm1  }
0x12c: {  	v7 =	vld [tilespmem:s29+$0xEB00];
	vm0 =	vmor vm2, vm0  }
0x12d: {  	v8 =	vld [tilespmem:s29+$0xD300];
	v3 =	vsel vm0, v59, v3;
	v4 =	vsel vm0, v58, v4  }
0x12e: {  	vm0 =	veq.f32 v6, v3;
	vm1 =	vgt.s32 v5, v4  }
0x12f: {  	vm2 =	vgt.f32 v6, v3;
	vm0 =	vmand vm0, vm1  }
0x130: {  	v60 =	vld [tilespmem:s29+$0xEB80];
	vm0 =	vmor vm2, vm0  }
0x131: {  	v61 =	vld [tilespmem:s29+$0xD380];
	v3 =	vsel vm0, v6, v3;
	v4 =	vsel vm0, v5, v4  }
0x132: {  	vm0 =	veq.f32 v8, v3;
	vm1 =	vgt.s32 v7, v4  }
0x133: {  	vm2 =	vgt.f32 v8, v3;
	vm0 =	vmand vm0, vm1  }
0x134: {  	v5 =	vld [tilespmem:s29+$0xEC00];
	vm0 =	vmor vm2, vm0  }
0x135: {  	v6 =	vld [tilespmem:s29+$0xD400];
	v3 =	vsel vm0, v8, v3;
	v4 =	vsel vm0, v7, v4  }
0x136: {  	vm0 =	veq.f32 v61, v3;
	vm1 =	vgt.s32 v60, v4  }
0x137: {  	vm2 =	vgt.f32 v61, v3;
	vm0 =	vmand vm0, vm1  }
0x138: {  	v7 =	vld [tilespmem:s29+$0xEC80];
	vm0 =	vmor vm2, vm0  }
0x139: {  	v8 =	vld [tilespmem:s29+$0xD480];
	v3 =	vsel vm0, v61, v3;
	v4 =	vsel vm0, v60, v4  }
0x13a: {  	vm0 =	veq.f32 v6, v3;
	vm1 =	vgt.s32 v5, v4  }
0x13b: {  	vm2 =	vgt.f32 v6, v3;
	vm0 =	vmand vm0, vm1  }
0x13c: {  	v62 =	vld [tilespmem:s29+$0xED00];
	vm0 =	vmor vm2, vm0  }
0x13d: {  	v63 =	vld [tilespmem:s29+$0xD500];
	v3 =	vsel vm0, v6, v3;
	v4 =	vsel vm0, v5, v4  }
0x13e: {  	vm0 =	veq.f32 v8, v3;
	vm1 =	vgt.s32 v7, v4  }
0x13f: {  	vm2 =	vgt.f32 v8, v3;
	vm0 =	vmand vm0, vm1  }
0x140: {  	v5 =	vld [tilespmem:s29+$0xED80];
	vm0 =	vmor vm2, vm0  }
0x141: {  	v6 =	vld [tilespmem:s29+$0xD580];
	v3 =	vsel vm0, v8, v3;
	v4 =	vsel vm0, v7, v4  }
0x142: {  	vm0 =	veq.f32 v63, v3;
	vm1 =	vgt.s32 v62, v4  }
0x143: {  	vm2 =	vgt.f32 v63, v3;
	vm0 =	vmand vm0, vm1  }
0x144: {  	v7 =	vld [tilespmem:s29+$0xEE00];
	vm0 =	vmor vm2, vm0  }
0x145: {  	v8 =	vld [tilespmem:s29+$0xD600];
	v10 =	vsel vm0, v63, v3;
	v9 =	vsel vm0, v62, v4  }
0x146: {  	vm0 =	veq.f32 v6, v10;
	vm1 =	vgt.s32 v5, v9  }
0x147: {  	vm2 =	vgt.f32 v6, v10;
	vm0 =	vmand vm0, vm1  }
0x148: {  	v3 =	vld [tilespmem:s29+$0xEE80];
	vm0 =	vmor vm2, vm0  }
0x149: {  	v4 =	vld [tilespmem:s29+$0xD680];
	v6 =	vsel vm0, v6, v10;
	v9 =	vsel vm0, v5, v9  }
0x14a: {  	vm0 =	veq.f32 v8, v6;
	vm1 =	vgt.s32 v7, v9  }
0x14b: {  	vm2 =	vgt.f32 v8, v6;
	vm0 =	vmand vm0, vm1  }
0x14c: {  	vm0 =	vmor vm2, vm0  }
0x14d: {  	v5 =	vsel vm0, v8, v6;
	v6 =	vsel vm0, v7, v9  }
0x14e: {  	vm0 =	veq.f32 v4, v5;
	vm1 =	vgt.s32 v3, v6  }
0x14f: {  	s21 =	smov.u32 s8;
	vm2 =	vgt.f32 v4, v5;
	vm0 =	vmand vm0, vm1  }
0x150: {  	s5 =	simm.s32 $0x40;
	s19 =	simm.s32 $0x0;
	s15 =	smov.u32 s7;
	vm0 =	vmor vm2, vm0  }
.LBB2_12:
0x151: {  	p5 =	sne.s32 s5, $0x4C0;
	v4 =	vsel vm0, v4, v5;
	v3 =	vsel vm0, v3, v6;
	s15 =	sadd.s32 $0x10, s15;
	s21 =	sadd.s32 $0x80, s21  }
0x152: {  	s1 =	sshra.s32 s19, $0x2;
	s19 =	smov.u32 s5;
	s5 =	sadd.s32 $0x40, s5;
	vm0 =	veq.f32 v4, $-3.402823470e+38  }
0x153: {  	s4 =	sand.u32 $0x70, s15;
	s9 =	sand.u32 $0x1C00, s21;
	v3 =	vsel vm0, $0xFFFFFFFF, v3  }
0x154: {  	s9 =	sor.u32 s4, s9;
	[tilespmem:s1+$0xF700] =	vst v3  }
0x155: {  	v3 =	vld [tilespmem:s9+$0xC780]  }
0x156: {  	v4 =	vld [tilespmem:s9+$0xDF00]  }
0x157: {  	v5 =	vld [tilespmem:s9+$0xDF80]  }
0x158: {  	v6 =	vld [tilespmem:s9+$0xC700];
	_ =	sdelay $0x1  }
0x159: {  	v7 =	vld [tilespmem:s9+$0xE000]  }
0x15a: {  	v8 =	vld [tilespmem:s9+$0xC800]  }
0x15b: {  	vm0 =	vgt.s32 v5, v4  }
0x15c: {  	vm1 =	vgt.f32 v3, v6;
	vm2 =	veq.f32 v3, v6  }
0x15d: {  	vm0 =	vmand vm2, vm0;
	v9 =	vld [tilespmem:s9+$0xE080]  }
0x15e: {  	vm0 =	vmor vm1, vm0;
	v10 =	vld [tilespmem:s9+$0xC880]  }
0x15f: {  	v3 =	vsel vm0, v3, v6;
	v4 =	vsel vm0, v5, v4  }
0x160: {  	vm0 =	vgt.f32 v8, v3;
	vm1 =	veq.f32 v8, v3;
	vm2 =	vgt.s32 v7, v4  }
0x161: {  	vm1 =	vmand vm1, vm2;
	v5 =	vld [tilespmem:s9+$0xE100]  }
0x162: {  	vm0 =	vmor vm0, vm1;
	v6 =	vld [tilespmem:s9+$0xC900]  }
0x163: {  	v3 =	vsel vm0, v8, v3;
	v4 =	vsel vm0, v7, v4  }
0x164: {  	vm0 =	vgt.f32 v10, v3;
	vm1 =	veq.f32 v10, v3;
	vm2 =	vgt.s32 v9, v4  }
0x165: {  	vm1 =	vmand vm1, vm2;
	v7 =	vld [tilespmem:s9+$0xE180]  }
0x166: {  	vm0 =	vmor vm0, vm1;
	v8 =	vld [tilespmem:s9+$0xC980]  }
0x167: {  	v3 =	vsel vm0, v10, v3;
	v4 =	vsel vm0, v9, v4  }
0x168: {  	vm0 =	vgt.f32 v6, v3;
	vm1 =	veq.f32 v6, v3;
	vm2 =	vgt.s32 v5, v4  }
0x169: {  	vm1 =	vmand vm1, vm2;
	v9 =	vld [tilespmem:s9+$0xE200]  }
0x16a: {  	vm0 =	vmor vm0, vm1;
	v10 =	vld [tilespmem:s9+$0xCA00]  }
0x16b: {  	s1 =	sor.u32 s21, s15;
	v3 =	vsel vm0, v6, v3;
	v4 =	vsel vm0, v5, v4  }
0x16c: {  	s1 =	sor.u32 $0x380, s1;
	vm0 =	vgt.f32 v8, v3;
	vm1 =	veq.f32 v8, v3;
	vm2 =	vgt.s32 v7, v4  }
0x16d: {  	vm1 =	vmand vm1, vm2;
	v5 =	vld [tilespmem:s1+$0xDF00]  }
0x16e: {  	vm0 =	vmor vm0, vm1;
	v6 =	vld [tilespmem:s1+$0xC700]  }
0x16f: {  	v3 =	vsel vm0, v8, v3;
	v4 =	vsel vm0, v7, v4  }
0x170: {  	vm0 =	vgt.f32 v10, v3;
	vm1 =	veq.f32 v10, v3;
	vm2 =	vgt.s32 v9, v4  }
0x171: {  	vm1 =	vmand vm1, vm2;
	v7 =	vld [tilespmem:s9+$0xEB00]  }
0x172: {  	vm0 =	vmor vm0, vm1;
	v8 =	vld [tilespmem:s9+$0xD300]  }
0x173: {  	v3 =	vsel vm0, v10, v3;
	v4 =	vsel vm0, v9, v4  }
0x174: {  	vm0 =	vgt.f32 v6, v3;
	vm1 =	veq.f32 v6, v3;
	vm2 =	vgt.s32 v5, v4  }
0x175: {  	vm1 =	vmand vm1, vm2;
	v9 =	vld [tilespmem:s9+$0xEB80]  }
0x176: {  	vm0 =	vmor vm0, vm1;
	v10 =	vld [tilespmem:s9+$0xD380]  }
0x177: {  	v3 =	vsel vm0, v6, v3;
	v4 =	vsel vm0, v5, v4  }
0x178: {  	vm0 =	vgt.f32 v8, v3;
	vm1 =	veq.f32 v8, v3;
	vm2 =	vgt.s32 v7, v4  }
0x179: {  	vm1 =	vmand vm1, vm2;
	v5 =	vld [tilespmem:s9+$0xEC00]  }
0x17a: {  	vm0 =	vmor vm0, vm1;
	v6 =	vld [tilespmem:s9+$0xD400]  }
0x17b: {  	v3 =	vsel vm0, v8, v3;
	v4 =	vsel vm0, v7, v4  }
0x17c: {  	vm0 =	vgt.f32 v10, v3;
	vm1 =	veq.f32 v10, v3;
	vm2 =	vgt.s32 v9, v4  }
0x17d: {  	vm1 =	vmand vm1, vm2;
	v7 =	vld [tilespmem:s9+$0xEC80]  }
0x17e: {  	vm0 =	vmor vm0, vm1;
	v8 =	vld [tilespmem:s9+$0xD480]  }
0x17f: {  	v3 =	vsel vm0, v10, v3;
	v4 =	vsel vm0, v9, v4  }
0x180: {  	vm0 =	vgt.f32 v6, v3;
	vm1 =	veq.f32 v6, v3;
	vm2 =	vgt.s32 v5, v4  }
0x181: {  	vm1 =	vmand vm1, vm2;
	v9 =	vld [tilespmem:s9+$0xED00]  }
0x182: {  	vm0 =	vmor vm0, vm1;
	v10 =	vld [tilespmem:s9+$0xD500]  }
0x183: {  	v3 =	vsel vm0, v6, v3;
	v4 =	vsel vm0, v5, v4  }
0x184: {  	vm0 =	vgt.f32 v8, v3;
	vm1 =	veq.f32 v8, v3;
	vm2 =	vgt.s32 v7, v4  }
0x185: {  	vm1 =	vmand vm1, vm2;
	v5 =	vld [tilespmem:s9+$0xED80]  }
0x186: {  	vm0 =	vmor vm0, vm1;
	v6 =	vld [tilespmem:s9+$0xD580]  }
0x187: {  	v3 =	vsel vm0, v8, v3;
	v4 =	vsel vm0, v7, v4  }
0x188: {  	vm0 =	vgt.f32 v10, v3;
	vm1 =	veq.f32 v10, v3;
	vm2 =	vgt.s32 v9, v4  }
0x189: {  	vm1 =	vmand vm1, vm2;
	v7 =	vld [tilespmem:s9+$0xEE00]  }
0x18a: {  	vm0 =	vmor vm0, vm1;
	v8 =	vld [tilespmem:s9+$0xD600]  }
0x18b: {  	v10 =	vsel vm0, v10, v3;
	v9 =	vsel vm0, v9, v4  }
0x18c: {  	vm0 =	vgt.f32 v6, v10;
	vm1 =	veq.f32 v6, v10;
	vm2 =	vgt.s32 v5, v9  }
0x18d: {  	vm1 =	vmand vm1, vm2;
	v3 =	vld [tilespmem:s9+$0xEE80]  }
0x18e: {  	vm0 =	vmor vm0, vm1;
	v4 =	vld [tilespmem:s9+$0xD680]  }
0x18f: {  	v6 =	vsel vm0, v6, v10;
	v9 =	vsel vm0, v5, v9  }
0x190: {  	vm0 =	vgt.f32 v8, v6;
	vm1 =	veq.f32 v8, v6;
	vm2 =	vgt.s32 v7, v9  }
0x191: {  	vm1 =	vmand vm1, vm2  }
.Ltmp16:
0x192: {  	vm0 =	vmor vm0, vm1;
	(pc) =	sbr.rel @p5 .LBB2_12-.Ltmp16, $4  }
0x193: {  	v5 =	vsel vm0, v8, v6;
	v6 =	vsel vm0, v7, v9  }
0x194: {  	vm0 =	vgt.f32 v4, v5;
	vm1 =	veq.f32 v4, v5;
	vm2 =	vgt.s32 v3, v6  }
0x195: {  	vm1 =	vmand vm1, vm2  }
0x196: {  	vm0 =	vmor vm0, vm1  }
0x197: {  	v4 =	vsel vm0, v4, v5  }
0x198: {  	v3 =	vsel vm0, v3, v6;
	vm0 =	veq.f32 v4, $-3.402823470e+38  }
0x199: {  	s1 =	sshra.s32 s19, $0x2;
	v3 =	vsel vm0, $0xFFFFFFFF, v3  }
0x19a: {  	[tilespmem:s1+$0xF700] =	vst v3  }
0x19b: {  	v3 =	vld [tilespmem:$0xF700]  }
0x19c: {  	v4 =	vld [tilespmem:$0xF710]  }
0x19d: {  	v5 =	vld [tilespmem:$0xF720]  }
0x19e: {  	v6 =	vld [tilespmem:$0xF730]  }
0x19f: {  	v7 =	vld [tilespmem:$0xF740]  }
0x1a0: {  	v8 =	vld [tilespmem:$0xF750];
	[tilespmem:$0x19A00] =	vst v2;
	vm0 =	vgt.s32 v3, $0x0  }
0x1a1: {  	v9 =	vld [tilespmem:$0xF760];
	[tilespmem:$0x19A10] =	vst v2;
	v3 =	vnsel vm0, $0x0, v3;
	vm0 =	vgt.s32 v4, $0x0  }
0x1a2: {  	[tilespmem:$0xF880] =	vst v3;
	v3 =	vnsel vm0, $0x0, v4;
	vm0 =	vgt.s32 v5, $0x0;
	v4 =	vld [tilespmem:$0xF770]  }
0x1a3: {  	[tilespmem:$0xF890] =	vst v3;
	v3 =	vnsel vm0, $0x0, v5;
	vm0 =	vgt.s32 v6, $0x0;
	v5 =	vld [tilespmem:$0xF780]  }
0x1a4: {  	[tilespmem:$0xF8A0] =	vst v3;
	v3 =	vnsel vm0, $0x0, v6;
	vm0 =	vgt.s32 v7, $0x0;
	v6 =	vld [tilespmem:$0xF790]  }
0x1a5: {  	[tilespmem:$0xF8B0] =	vst v3;
	v3 =	vnsel vm0, $0x0, v7;
	vm0 =	vgt.s32 v8, $0x0;
	v7 =	vld [tilespmem:$0xF7A0]  }
0x1a6: {  	v60 =	vld [tilespmem:$0xF7B0];
	[tilespmem:$0xF8C0] =	vst v3;
	v3 =	vnsel vm0, $0x0, v8;
	vm0 =	vgt.s32 v9, $0x0  }
0x1a7: {  	v61 =	vld [tilespmem:$0xF7C0];
	[tilespmem:$0xF8D0] =	vst v3;
	v3 =	vnsel vm0, $0x0, v9;
	vm0 =	vgt.s32 v4, $0x0  }
0x1a8: {  	[tilespmem:$0xF8E0] =	vst v3;
	v3 =	vnsel vm0, $0x0, v4;
	vm0 =	vgt.s32 v5, $0x0;
	v4 =	vld [tilespmem:$0xF7D0]  }
0x1a9: {  	[tilespmem:$0xF8F0] =	vst v3;
	v3 =	vnsel vm0, $0x0, v5;
	vm0 =	vgt.s32 v6, $0x0;
	v5 =	vld [tilespmem:$0xF7E0]  }
0x1aa: {  	[tilespmem:$0xF900] =	vst v3;
	v3 =	vnsel vm0, $0x0, v6;
	vm0 =	vgt.s32 v7, $0x0;
	v6 =	vld [tilespmem:$0xF7F0]  }
0x1ab: {  	[tilespmem:$0xF910] =	vst v3;
	v3 =	vnsel vm0, $0x0, v7;
	vm0 =	vgt.s32 v60, $0x0;
	v7 =	vld [tilespmem:$0xF800]  }
0x1ac: {  	v62 =	vld [tilespmem:$0xF810];
	[tilespmem:$0xF920] =	vst v3;
	v3 =	vnsel vm0, $0x0, v60;
	vm0 =	vgt.s32 v61, $0x0  }
0x1ad: {  	v63 =	vld [tilespmem:$0xF820];
	[tilespmem:$0xF930] =	vst v3;
	v3 =	vnsel vm0, $0x0, v61;
	vm0 =	vgt.s32 v4, $0x0  }
0x1ae: {  	[tilespmem:$0xF940] =	vst v3;
	v3 =	vnsel vm0, $0x0, v4;
	vm0 =	vgt.s32 v5, $0x0;
	v4 =	vld [tilespmem:$0xF830]  }
0x1af: {  	[tilespmem:$0xF950] =	vst v3;
	v3 =	vnsel vm0, $0x0, v5;
	vm0 =	vgt.s32 v6, $0x0  }
0x1b0: {  	[tilespmem:$0xF960] =	vst v3;
	v3 =	vnsel vm0, $0x0, v6;
	vm0 =	vgt.s32 v7, $0x0  }
0x1b1: {  	[tilespmem:$0xF970] =	vst v3;
	v3 =	vnsel vm0, $0x0, v7;
	vm0 =	vgt.s32 v62, $0x0  }
0x1b2: {  	[tilespmem:$0xF980] =	vst v3;
	v3 =	vnsel vm0, $0x0, v62;
	vm0 =	vgt.s32 v63, $0x0  }
0x1b3: {  	[tilespmem:$0xF990] =	vst v3;
	v3 =	vnsel vm0, $0x0, v63;
	vm0 =	vgt.s32 v4, $0x0  }
0x1b4: {  	[tilespmem:$0xF9A0] =	vst v3;
	v3 =	vnsel vm0, $0x0, v4  }
0x1b5: {  	[tilespmem:$0xF9B0] =	vst v3;
	v3 =	vld [tilespmem:$0xF880]  }
0x1b6: {  	[tilespmem:$0x19A20] =	vst v2  }
0x1b7: {  	[tilespmem:$0x19A30] =	vst v2  }
0x1b8: {  	[tilespmem:$0x19A40] =	vst v2  }
0x1b9: {  	[tilespmem:$0x19A50] =	vst v2  }
0x1ba: {  	[tilespmem:$0x19A60] =	vst v2;
	v4 =	vshll.u32 v3, $0x1  }
0x1bb: {  	[tilespmem:$0x19A70] =	vst v2;
	v3 =	vand.u32 $0x7, v3;
	v4 =	vand.u32 $0xFFFFFFF0, v4  }
0x1bc: {  	[tilespmem:$0x19A80] =	vst v2;
	v6 =	vor.u32 v3, v4;
	v3 =	vand.u32 $0x7, v0;
	v4 =	vshrl.u32 v0, $0x3  }
0x1bd: {  	[tilespmem:$0x19A90] =	vst v2;
	v7 =	vperm.xlane v6, v3;
	v4 =	vmul.u32 $0x8, v4  }
0x1be: {  	[tilespmem:$0x19AA0] =	vst v2;
	v5 =	vor.u32 $0x8, v0  }
0x1bf: {  	[tilespmem:$0x19AB0] =	vst v2;
	v6 =	vperm.xlane v6, v5;
	v7 =	vadd.s32 v4, v7  }
0x1c0: {  	[tilespmem:$0x19AC0] =	vst v2  }
0x1c1: {  	[tilespmem:$0x19AD0] =	vst v2;
	v6 =	vadd.s32 v4, v6  }
0x1c2: {  	[tilespmem:$0x19AE0] =	vst v2  }
0x1c3: {  	[tilespmem:$0x19AF0] =	vst v2;
	vm0 =	vmmov $0xffff  }
0x1c4: {  	[tilespmem:s23], [sflag:$0x2] =	stream.indirect_vreg.gather [hbm4b:s0+s3], $0x80, v7, vm0, $0xb8;
	[tilespmem:$0x1EB00] =	vst v63  }
0x1c5: {  	s14 =	simm.s32 $0x10200  }
0x1c6: {  	[tilespmem:s14], [sflag:$0x2] =	stream.indirect_vreg.gather [hbm4b:s0+s3], $0x80, v6, vm0, $0xb8;
	[tilespmem:$0x1EB00] =	vst v63  }
0x1c7: {  	v6 =	vld [tilespmem:$0xF890];
	_ =	sdelay $0x4  }
0x1c8: {  	v7 =	vshll.u32 v6, $0x1  }
0x1c9: {  	v6 =	vand.u32 $0x7, v6;
	v7 =	vand.u32 $0xFFFFFFF0, v7  }
0x1ca: {  	v6 =	vor.u32 v6, v7  }
0x1cb: {  	v7 =	vperm.xlane v6, v3;
	_ =	sdelay $0x1  }
0x1cc: {  	v6 =	vperm.xlane v6, v5;
	v7 =	vadd.s32 v4, v7;
	_ =	sdelay $0x1  }
0x1cd: {  	v6 =	vadd.s32 v4, v6;
	_ =	sdelay $0x1  }
0x1ce: {  	s15 =	simm.s32 $0x10A00  }
0x1cf: {  	[tilespmem:s15], [sflag:$0x2] =	stream.indirect_vreg.gather [hbm4b:s0+s3], $0x80, v7, vm0, $0xb8;
	[tilespmem:$0x1EB00] =	vst v63  }
0x1d0: {  	s16 =	simm.s32 $0x11200  }
0x1d1: {  	[tilespmem:s16], [sflag:$0x2] =	stream.indirect_vreg.gather [hbm4b:s0+s3], $0x80, v6, vm0, $0xb8;
	[tilespmem:$0x1EB00] =	vst v63  }
0x1d2: {  	v6 =	vld [tilespmem:$0xF8A0];
	_ =	sdelay $0x4  }
0x1d3: {  	v7 =	vshll.u32 v6, $0x1  }
0x1d4: {  	v6 =	vand.u32 $0x7, v6;
	v7 =	vand.u32 $0xFFFFFFF0, v7  }
0x1d5: {  	v6 =	vor.u32 v6, v7  }
0x1d6: {  	v7 =	vperm.xlane v6, v3;
	_ =	sdelay $0x1  }
0x1d7: {  	v6 =	vperm.xlane v6, v5;
	v7 =	vadd.s32 v4, v7;
	_ =	sdelay $0x1  }
0x1d8: {  	v6 =	vadd.s32 v4, v6;
	_ =	sdelay $0x1  }
0x1d9: {  	s19 =	simm.s32 $0x11A00  }
0x1da: {  	[tilespmem:s19], [sflag:$0x2] =	stream.indirect_vreg.gather [hbm4b:s0+s3], $0x80, v7, vm0, $0xb8;
	[tilespmem:$0x1EB00] =	vst v63  }
0x1db: {  	s20 =	simm.s32 $0x12200  }
0x1dc: {  	[tilespmem:s20], [sflag:$0x2] =	stream.indirect_vreg.gather [hbm4b:s0+s3], $0x80, v6, vm0, $0xb8;
	[tilespmem:$0x1EB00] =	vst v63  }
0x1dd: {  	v6 =	vld [tilespmem:$0xF8B0];
	_ =	sdelay $0x4  }
0x1de: {  	v7 =	vshll.u32 v6, $0x1  }
0x1df: {  	v6 =	vand.u32 $0x7, v6;
	v7 =	vand.u32 $0xFFFFFFF0, v7  }
0x1e0: {  	v6 =	vor.u32 v6, v7  }
0x1e1: {  	v7 =	vperm.xlane v6, v3;
	_ =	sdelay $0x1  }
0x1e2: {  	v6 =	vperm.xlane v6, v5;
	v7 =	vadd.s32 v4, v7;
	_ =	sdelay $0x1  }
0x1e3: {  	v6 =	vadd.s32 v4, v6;
	_ =	sdelay $0x1  }
0x1e4: {  	s21 =	simm.s32 $0x12A00  }
0x1e5: {  	[tilespmem:s21], [sflag:$0x2] =	stream.indirect_vreg.gather [hbm4b:s0+s3], $0x80, v7, vm0, $0xb8;
	[tilespmem:$0x1EB00] =	vst v63  }
0x1e6: {  	s22 =	simm.s32 $0x13200  }
0x1e7: {  	[tilespmem:s22], [sflag:$0x2] =	stream.indirect_vreg.gather [hbm4b:s0+s3], $0x80, v6, vm0, $0xb8;
	[tilespmem:$0x1EB00] =	vst v63  }
0x1e8: {  	v6 =	vld [tilespmem:$0xF8C0];
	_ =	sdelay $0x4  }
0x1e9: {  	v7 =	vshll.u32 v6, $0x1  }
0x1ea: {  	v6 =	vand.u32 $0x7, v6;
	v7 =	vand.u32 $0xFFFFFFF0, v7  }
0x1eb: {  	v6 =	vor.u32 v6, v7  }
0x1ec: {  	v7 =	vperm.xlane v6, v3;
	_ =	sdelay $0x1  }
0x1ed: {  	v6 =	vperm.xlane v6, v5;
	v7 =	vadd.s32 v4, v7;
	_ =	sdelay $0x1  }
0x1ee: {  	v6 =	vadd.s32 v4, v6  }
.Ltmp17:
0x1ef: {  	_ = 	snop;
	(pc) =	sbr.rel @!p1 .LBB2_14-.Ltmp17, $4  }
0x1f0: {  	s29 =	simm.s32 $0x13A00  }
0x1f1: {  	[tilespmem:s29], [sflag:$0x2] =	stream.indirect_vreg.gather [hbm4b:s0+s3], $0x80, v7, vm0, $0xb8;
	[tilespmem:$0x1EB00] =	vst v63  }
0x1f2: {  	s30 =	simm.s32 $0x14200  }
0x1f3: {  	[tilespmem:s30], [sflag:$0x2] =	stream.indirect_vreg.gather [hbm4b:s0+s3], $0x80, v6, vm0, $0xb8;
	[tilespmem:$0x1EB00] =	vst v63  }
0x1f4: {  	v6 =	vld [tilespmem:$0xF8D0];
	_ =	sdelay $0x4  }
0x1f5: {  	v7 =	vshll.u32 v6, $0x1  }
0x1f6: {  	v6 =	vand.u32 $0x7, v6;
	v7 =	vand.u32 $0xFFFFFFF0, v7  }
0x1f7: {  	v6 =	vor.u32 v6, v7  }
0x1f8: {  	v7 =	vperm.xlane v6, v3;
	_ =	sdelay $0x1  }
0x1f9: {  	v6 =	vperm.xlane v6, v5;
	v7 =	vadd.s32 v4, v7;
	_ =	sdelay $0x1  }
0x1fa: {  	v6 =	vadd.s32 v4, v6;
	_ =	sdelay $0x1  }
0x1fb: {  	s1 =	simm.s32 $0x14A00  }
0x1fc: {  	[tilespmem:s1], [sflag:$0x3] =	stream.indirect_vreg.gather [hbm4b:s0+s3], $0x80, v7, vm0, $0xb8;
	[tilespmem:$0x1EB00] =	vst v63  }
0x1fd: {  	s14 =	simm.s32 $0x15200  }
0x1fe: {  	[tilespmem:s14], [sflag:$0x3] =	stream.indirect_vreg.gather [hbm4b:s0+s3], $0x80, v6, vm0, $0xb8;
	[tilespmem:$0x1EB00] =	vst v63  }
0x1ff: {  	v6 =	vld [tilespmem:$0xF8E0];
	_ =	sdelay $0x4  }
0x200: {  	v7 =	vshll.u32 v6, $0x1  }
0x201: {  	v6 =	vand.u32 $0x7, v6;
	v7 =	vand.u32 $0xFFFFFFF0, v7  }
0x202: {  	v6 =	vor.u32 v6, v7  }
0x203: {  	v7 =	vperm.xlane v6, v3;
	_ =	sdelay $0x1  }
0x204: {  	v6 =	vperm.xlane v6, v5;
	v7 =	vadd.s32 v4, v7;
	_ =	sdelay $0x1  }
0x205: {  	v6 =	vadd.s32 v4, v6;
	_ =	sdelay $0x1  }
0x206: {  	s15 =	simm.s32 $0x15A00  }
0x207: {  	[tilespmem:s15], [sflag:$0x3] =	stream.indirect_vreg.gather [hbm4b:s0+s3], $0x80, v7, vm0, $0xb8;
	[tilespmem:$0x1EB00] =	vst v63  }
0x208: {  	s16 =	simm.s32 $0x16200  }
0x209: {  	[tilespmem:s16], [sflag:$0x3] =	stream.indirect_vreg.gather [hbm4b:s0+s3], $0x80, v6, vm0, $0xb8;
	[tilespmem:$0x1EB00] =	vst v63  }
0x20a: {  	v6 =	vld [tilespmem:$0xF8F0];
	_ =	sdelay $0x4  }
0x20b: {  	v7 =	vshll.u32 v6, $0x1  }
0x20c: {  	v6 =	vand.u32 $0x7, v6;
	v7 =	vand.u32 $0xFFFFFFF0, v7  }
0x20d: {  	v6 =	vor.u32 v6, v7  }
0x20e: {  	v7 =	vperm.xlane v6, v3;
	_ =	sdelay $0x1  }
0x20f: {  	v6 =	vperm.xlane v6, v5;
	v7 =	vadd.s32 v4, v7;
	_ =	sdelay $0x1  }
0x210: {  	v6 =	vadd.s32 v4, v6;
	_ =	sdelay $0x1  }
0x211: {  	s19 =	simm.s32 $0x16A00  }
0x212: {  	[tilespmem:s19], [sflag:$0x3] =	stream.indirect_vreg.gather [hbm4b:s0+s3], $0x80, v7, vm0, $0xb8;
	[tilespmem:$0x1EB00] =	vst v63  }
0x213: {  	s20 =	simm.s32 $0x17200  }
0x214: {  	[tilespmem:s20], [sflag:$0x3] =	stream.indirect_vreg.gather [hbm4b:s0+s3], $0x80, v6, vm0, $0xb8;
	[tilespmem:$0x1EB00] =	vst v63  }
0x215: {  	v6 =	vld [tilespmem:$0xF900];
	_ =	sdelay $0x4  }
0x216: {  	v7 =	vshll.u32 v6, $0x1  }
0x217: {  	v6 =	vand.u32 $0x7, v6;
	v7 =	vand.u32 $0xFFFFFFF0, v7  }
0x218: {  	v6 =	vor.u32 v6, v7  }
0x219: {  	v7 =	vperm.xlane v6, v3;
	_ =	sdelay $0x1  }
0x21a: {  	v6 =	vperm.xlane v6, v5;
	v7 =	vadd.s32 v4, v7;
	_ =	sdelay $0x1  }
0x21b: {  	v6 =	vadd.s32 v4, v6;
	_ =	sdelay $0x1  }
0x21c: {  	s21 =	simm.s32 $0x17A00  }
0x21d: {  	[tilespmem:s21], [sflag:$0x3] =	stream.indirect_vreg.gather [hbm4b:s0+s3], $0x80, v7, vm0, $0xb8;
	[tilespmem:$0x1EB00] =	vst v63  }
0x21e: {  	s22 =	simm.s32 $0x18200  }
0x21f: {  	[tilespmem:s22], [sflag:$0x3] =	stream.indirect_vreg.gather [hbm4b:s0+s3], $0x80, v6, vm0, $0xb8;
	[tilespmem:$0x1EB00] =	vst v63  }
0x220: {  	v6 =	vld [tilespmem:$0xF910];
	_ =	sdelay $0x4  }
0x221: {  	v7 =	vshll.u32 v6, $0x1  }
0x222: {  	v6 =	vand.u32 $0x7, v6;
	v7 =	vand.u32 $0xFFFFFFF0, v7  }
0x223: {  	v6 =	vor.u32 v6, v7  }
0x224: {  	v7 =	vperm.xlane v6, v3;
	_ =	sdelay $0x1  }
0x225: {  	v6 =	vperm.xlane v6, v5;
	v7 =	vadd.s32 v4, v7;
	_ =	sdelay $0x1  }
0x226: {  	v6 =	vadd.s32 v4, v6;
	_ =	sdelay $0x1  }
0x227: {  	s29 =	simm.s32 $0x18A00  }
0x228: {  	[tilespmem:s29], [sflag:$0x3] =	stream.indirect_vreg.gather [hbm4b:s0+s3], $0x80, v7, vm0, $0xb8;
	[tilespmem:$0x1EB00] =	vst v63  }
.Ltmp18:
0x229: {  	s30 =	simm.s32 $0x19200;
	(pc) =	sbr.rel @p0 .LBB2_17-.Ltmp18, $4  }
0x22a: {  	[tilespmem:s30], [sflag:$0x3] =	stream.indirect_vreg.gather [hbm4b:s0+s3], $0x80, v6, vm0, $0xb8;
	[tilespmem:$0x1EB00] =	vst v63  }
0x22b: {  	_ =	swait.ge [sflag:s18], $0x5000  }
0x22c: {  	[sflag:s18] =	ssyncset.done $0x0  }
0x22d: {  	[sflag:s18] =	ssyncadd.s32 $0xFFFFB000  }
0x22e: {  	v6 =	vld [tilespmem:$0xF920];
	_ =	sdelay $0x4  }
0x22f: {  	v7 =	vshll.u32 v6, $0x1  }
0x230: {  	v6 =	vand.u32 $0x7, v6;
	v7 =	vand.u32 $0xFFFFFFF0, v7  }
0x231: {  	v6 =	vor.u32 v6, v7  }
0x232: {  	v7 =	vperm.xlane v6, v3;
	_ =	sdelay $0x1  }
0x233: {  	v6 =	vperm.xlane v6, v5;
	v7 =	vadd.s32 v4, v7;
	_ =	sdelay $0x1  }
0x234: {  	v6 =	vadd.s32 v4, v6;
	_ =	sdelay $0x2  }
0x235: {  	[tilespmem:s23], [sflag:$0x2] =	stream.indirect_vreg.gather [hbm4b:s0+s3], $0x80, v7, vm0, $0xb8;
	[tilespmem:$0x1EB00] =	vst v63  }
0x236: {  	s1 =	simm.s32 $0x10200  }
0x237: {  	[tilespmem:s1], [sflag:$0x2] =	stream.indirect_vreg.gather [hbm4b:s0+s3], $0x80, v6, vm0, $0xb8;
	[tilespmem:$0x1EB00] =	vst v63  }
0x238: {  	v6 =	vld [tilespmem:$0xF930];
	_ =	sdelay $0x4  }
0x239: {  	v7 =	vshll.u32 v6, $0x1  }
0x23a: {  	v6 =	vand.u32 $0x7, v6;
	v7 =	vand.u32 $0xFFFFFFF0, v7  }
0x23b: {  	v6 =	vor.u32 v6, v7  }
0x23c: {  	v7 =	vperm.xlane v6, v3;
	_ =	sdelay $0x1  }
0x23d: {  	v6 =	vperm.xlane v6, v5;
	v7 =	vadd.s32 v4, v7;
	_ =	sdelay $0x1  }
0x23e: {  	v6 =	vadd.s32 v4, v6;
	_ =	sdelay $0x1  }
0x23f: {  	s15 =	simm.s32 $0x10A00  }
0x240: {  	[tilespmem:s15], [sflag:$0x2] =	stream.indirect_vreg.gather [hbm4b:s0+s3], $0x80, v7, vm0, $0xb8;
	[tilespmem:$0x1EB00] =	vst v63  }
0x241: {  	s16 =	simm.s32 $0x11200  }
0x242: {  	[tilespmem:s16], [sflag:$0x2] =	stream.indirect_vreg.gather [hbm4b:s0+s3], $0x80, v6, vm0, $0xb8;
	[tilespmem:$0x1EB00] =	vst v63  }
0x243: {  	v6 =	vld [tilespmem:$0xF940];
	_ =	sdelay $0x4  }
0x244: {  	v7 =	vshll.u32 v6, $0x1  }
0x245: {  	v6 =	vand.u32 $0x7, v6;
	v7 =	vand.u32 $0xFFFFFFF0, v7  }
0x246: {  	v6 =	vor.u32 v6, v7  }
0x247: {  	v7 =	vperm.xlane v6, v3;
	_ =	sdelay $0x1  }
0x248: {  	v6 =	vperm.xlane v6, v5;
	v7 =	vadd.s32 v4, v7;
	_ =	sdelay $0x1  }
0x249: {  	v6 =	vadd.s32 v4, v6;
	_ =	sdelay $0x1  }
0x24a: {  	s19 =	simm.s32 $0x11A00  }
0x24b: {  	[tilespmem:s19], [sflag:$0x2] =	stream.indirect_vreg.gather [hbm4b:s0+s3], $0x80, v7, vm0, $0xb8;
	[tilespmem:$0x1EB00] =	vst v63  }
0x24c: {  	s20 =	simm.s32 $0x12200  }
0x24d: {  	[tilespmem:s20], [sflag:$0x2] =	stream.indirect_vreg.gather [hbm4b:s0+s3], $0x80, v6, vm0, $0xb8;
	[tilespmem:$0x1EB00] =	vst v63  }
0x24e: {  	v6 =	vld [tilespmem:$0xF950];
	_ =	sdelay $0x4  }
0x24f: {  	v7 =	vshll.u32 v6, $0x1  }
0x250: {  	v6 =	vand.u32 $0x7, v6;
	v7 =	vand.u32 $0xFFFFFFF0, v7  }
0x251: {  	v6 =	vor.u32 v6, v7  }
0x252: {  	v7 =	vperm.xlane v6, v3;
	_ =	sdelay $0x1  }
0x253: {  	v6 =	vperm.xlane v6, v5;
	v7 =	vadd.s32 v4, v7;
	_ =	sdelay $0x1  }
0x254: {  	v6 =	vadd.s32 v4, v6;
	_ =	sdelay $0x1  }
0x255: {  	s21 =	simm.s32 $0x12A00  }
0x256: {  	[tilespmem:s21], [sflag:$0x2] =	stream.indirect_vreg.gather [hbm4b:s0+s3], $0x80, v7, vm0, $0xb8;
	[tilespmem:$0x1EB00] =	vst v63  }
0x257: {  	s22 =	simm.s32 $0x13200  }
0x258: {  	[tilespmem:s22], [sflag:$0x2] =	stream.indirect_vreg.gather [hbm4b:s0+s3], $0x80, v6, vm0, $0xb8;
	[tilespmem:$0x1EB00] =	vst v63  }
0x259: {  	v6 =	vld [tilespmem:$0xF960];
	_ =	sdelay $0x4  }
0x25a: {  	v7 =	vshll.u32 v6, $0x1  }
0x25b: {  	v6 =	vand.u32 $0x7, v6;
	v7 =	vand.u32 $0xFFFFFFF0, v7  }
0x25c: {  	v6 =	vor.u32 v6, v7  }
0x25d: {  	v7 =	vperm.xlane v6, v3;
	_ =	sdelay $0x1  }
0x25e: {  	v6 =	vperm.xlane v6, v5;
	v7 =	vadd.s32 v4, v7;
	_ =	sdelay $0x1  }
0x25f: {  	v6 =	vadd.s32 v4, v6  }
.Ltmp19:
0x260: {  	_ = 	snop;
	(pc) =	sbr.rel .LBB2_17-.Ltmp19, $4  }
0x261: {  	s29 =	simm.s32 $0x13A00  }
0x262: {  	[tilespmem:s29], [sflag:$0x2] =	stream.indirect_vreg.gather [hbm4b:s0+s3], $0x80, v7, vm0, $0xb8;
	[tilespmem:$0x1EB00] =	vst v63  }
0x263: {  	s30 =	simm.s32 $0x14200  }
0x264: {  	[tilespmem:s30], [sflag:$0x2] =	stream.indirect_vreg.gather [hbm4b:s0+s3], $0x80, v6, vm0, $0xb8;
	[tilespmem:$0x1EB00] =	vst v63  }
.LBB2_14:
0x265: {  	_ =	swait.ge [sflag:s18], $0x5000  }
0x266: {  	[sflag:s18] =	ssyncset.done $0x0  }
0x267: {  	[sflag:s18] =	ssyncadd.s32 $0xFFFFB000  }
.LBB2_17:
.Ltmp20:
0x268: {  	s1 =	rddreg [dreg:$0x10];
	(pc) =	sbr.rel @p2 .LBB2_21-.Ltmp20, $4  }
0x269: {  	[hbm4b:s1+s3] =	stream.linear.scatter [tilespmem:s23], [sflag:$0x4], $0x5000, $0x38;
	[tilespmem:$0x1EB00] =	vst v63  }
0x26a: {  	_ =	swait.ge [sflag:s31], $0x5000  }
0x26b: {  	[sflag:s31] =	ssyncset.done $0x0  }
0x26c: {  	[sflag:s31] =	ssyncadd.s32 $0xFFFFB000  }
0x26d: {  	s1 =	simm.s32 $0x3  }
0x26e: {  	_ =	swait.ge [sflag:s1], $0x5000  }
0x26f: {  	s30 =	sld [smem:$0x7FD];
	_ =	sdelay $0x2  }
0x270: {  	p3 =	seq.s32 s30, $0x1  }
.Ltmp21:
0x271: {  	_ = 	snop;
	(pc) =	sbr.rel @p3 .LBB2_20-.Ltmp21, $3  }
0x272: {  	_ =	sdelay $0x1  }
0x273: {  	[sflag:s1] =	ssyncset.done $0x0  }
0x274: {  	[sflag:s1] =	ssyncadd.s32 $0xFFFFB000  }
0x275: {  	v6 =	vld [tilespmem:$0xF970];
	_ =	sdelay $0x4  }
0x276: {  	v7 =	vshll.u32 v6, $0x1  }
0x277: {  	v6 =	vand.u32 $0x7, v6;
	v7 =	vand.u32 $0xFFFFFFF0, v7  }
0x278: {  	v6 =	vor.u32 v6, v7  }
0x279: {  	v7 =	vperm.xlane v6, v3;
	_ =	sdelay $0x1  }
0x27a: {  	v6 =	vperm.xlane v6, v5;
	v7 =	vadd.s32 v4, v7;
	_ =	sdelay $0x1  }
0x27b: {  	v6 =	vadd.s32 v4, v6;
	_ =	sdelay $0x1  }
0x27c: {  	s1 =	simm.s32 $0x14A00  }
0x27d: {  	[tilespmem:s1], [sflag:$0x3] =	stream.indirect_vreg.gather [hbm4b:s0+s3], $0x80, v7, vm0, $0xb8;
	[tilespmem:$0x1EB00] =	vst v63  }
0x27e: {  	s14 =	simm.s32 $0x15200  }
0x27f: {  	[tilespmem:s14], [sflag:$0x3] =	stream.indirect_vreg.gather [hbm4b:s0+s3], $0x80, v6, vm0, $0xb8;
	[tilespmem:$0x1EB00] =	vst v63  }
0x280: {  	v6 =	vld [tilespmem:$0xF980];
	_ =	sdelay $0x4  }
0x281: {  	v58 =	vshll.u32 v6, $0x1  }
0x282: {  	v6 =	vand.u32 $0x7, v6;
	v7 =	vand.u32 $0xFFFFFFF0, v58  }
0x283: {  	v6 =	vor.u32 v6, v7  }
0x284: {  	v7 =	vperm.xlane v6, v3;
	_ =	sdelay $0x1  }
0x285: {  	v6 =	vperm.xlane v6, v5;
	v7 =	vadd.s32 v4, v7;
	_ =	sdelay $0x1  }
0x286: {  	v6 =	vadd.s32 v4, v6;
	_ =	sdelay $0x1  }
0x287: {  	s15 =	simm.s32 $0x15A00  }
0x288: {  	[tilespmem:s15], [sflag:$0x3] =	stream.indirect_vreg.gather [hbm4b:s0+s3], $0x80, v7, vm0, $0xb8;
	[tilespmem:$0x1EB00] =	vst v63  }
0x289: {  	s16 =	simm.s32 $0x16200  }
0x28a: {  	[tilespmem:s16], [sflag:$0x3] =	stream.indirect_vreg.gather [hbm4b:s0+s3], $0x80, v6, vm0, $0xb8;
	[tilespmem:$0x1EB00] =	vst v63  }
0x28b: {  	v6 =	vld [tilespmem:$0xF990];
	_ =	sdelay $0x4  }
0x28c: {  	v59 =	vshll.u32 v6, $0x1  }
0x28d: {  	v6 =	vand.u32 $0x7, v6;
	v7 =	vand.u32 $0xFFFFFFF0, v59  }
0x28e: {  	v6 =	vor.u32 v6, v7  }
0x28f: {  	v7 =	vperm.xlane v6, v3;
	_ =	sdelay $0x1  }
0x290: {  	v6 =	vperm.xlane v6, v5;
	v7 =	vadd.s32 v4, v7;
	_ =	sdelay $0x1  }
0x291: {  	v6 =	vadd.s32 v4, v6;
	_ =	sdelay $0x1  }
0x292: {  	s19 =	simm.s32 $0x16A00  }
0x293: {  	[tilespmem:s19], [sflag:$0x3] =	stream.indirect_vreg.gather [hbm4b:s0+s3], $0x80, v7, vm0, $0xb8;
	[tilespmem:$0x1EB00] =	vst v63  }
0x294: {  	s20 =	simm.s32 $0x17200  }
0x295: {  	[tilespmem:s20], [sflag:$0x3] =	stream.indirect_vreg.gather [hbm4b:s0+s3], $0x80, v6, vm0, $0xb8;
	[tilespmem:$0x1EB00] =	vst v63  }
0x296: {  	v6 =	vld [tilespmem:$0xF9A0];
	_ =	sdelay $0x4  }
0x297: {  	v60 =	vshll.u32 v6, $0x1  }
0x298: {  	v6 =	vand.u32 $0x7, v6;
	v7 =	vand.u32 $0xFFFFFFF0, v60  }
0x299: {  	v6 =	vor.u32 v6, v7  }
0x29a: {  	v7 =	vperm.xlane v6, v3;
	_ =	sdelay $0x1  }
0x29b: {  	v6 =	vperm.xlane v6, v5;
	v7 =	vadd.s32 v4, v7;
	_ =	sdelay $0x1  }
0x29c: {  	v6 =	vadd.s32 v4, v6;
	_ =	sdelay $0x1  }
0x29d: {  	s21 =	simm.s32 $0x17A00  }
0x29e: {  	[tilespmem:s21], [sflag:$0x3] =	stream.indirect_vreg.gather [hbm4b:s0+s3], $0x80, v7, vm0, $0xb8;
	[tilespmem:$0x1EB00] =	vst v63  }
0x29f: {  	s22 =	simm.s32 $0x18200  }
0x2a0: {  	[tilespmem:s22], [sflag:$0x3] =	stream.indirect_vreg.gather [hbm4b:s0+s3], $0x80, v6, vm0, $0xb8;
	[tilespmem:$0x1EB00] =	vst v63  }
0x2a1: {  	v6 =	vld [tilespmem:$0xF9B0];
	_ =	sdelay $0x4  }
0x2a2: {  	v61 =	vshll.u32 v6, $0x1  }
0x2a3: {  	v6 =	vand.u32 $0x7, v6;
	v7 =	vand.u32 $0xFFFFFFF0, v61  }
0x2a4: {  	v6 =	vor.u32 v6, v7  }
0x2a5: {  	v3 =	vperm.xlane v6, v3;
	_ =	sdelay $0x1  }
0x2a6: {  	v62 =	vperm.xlane v6, v5;
	v3 =	vadd.s32 v4, v3;
	_ =	sdelay $0x1  }
0x2a7: {  	v63 =	vadd.s32 v4, v62;
	_ =	sdelay $0x1  }
0x2a8: {  	s29 =	simm.s32 $0x18A00  }
0x2a9: {  	[tilespmem:s29], [sflag:$0x3] =	stream.indirect_vreg.gather [hbm4b:s0+s3], $0x80, v3, vm0, $0xb8;
	[tilespmem:$0x1EB00] =	vst v63  }
0x2aa: {  	s30 =	simm.s32 $0x19200  }
0x2ab: {  	[tilespmem:s30], [sflag:$0x3] =	stream.indirect_vreg.gather [hbm4b:s0+s3], $0x80, v63, vm0, $0xb8;
	[tilespmem:$0x1EB00] =	vst v63  }
.LBB2_20:
0x2ac: {  	s1 =	rddreg [dreg:$0x11];
	s4 =	simm.s32 $0x14A00  }
0x2ad: {  	[hbm4b:s1+s3] =	stream.linear.scatter [tilespmem:s4], [sflag:$0x4], $0x5000, $0x38;
	[tilespmem:$0x1EB00] =	vst v63  }
0x2ae: {  	_ =	swait.ge [sflag:s31], $0x5000  }
0x2af: {  	[sflag:s31] =	ssyncset.done $0x0  }
0x2b0: {  	s1 =	simm.s32 @!p0 $0x2;
	[sflag:s31] =	ssyncadd.s32 $0xFFFFB000  }
0x2b1: {  	_ =	swait.ge @!p0 [sflag:s1], $0x5000  }
0x2b2: {  	s4 =	simm.s32 @!p0 $0xFA00;
	[sflag:s1] =	ssyncset.done @!p0 $0x0  }
0x2b3: {  	s5 =	rddreg [dreg:$0x12];
	[sflag:s1] =	ssyncadd.s32 @!p0 $0xFFFFB000;
	s1 =	simm.s32 @!p0 $0x0  }
0x2b4: {  	[hbm4b:s5+s1] =	stream.linear.scatter @!p0 [tilespmem:s4], [sflag:$0x4], $0x5000, $0x38;
	[tilespmem:$0x1EB00] =	vst v63  }
0x2b5: {  	s1 =	simm.s32 @!p0 $0x4  }
0x2b6: {  	_ =	swait.ge @!p0 [sflag:s1], $0x5000  }
0x2b7: {  	[sflag:s1] =	ssyncset.done @!p0 $0x0  }
0x2b8: {  	[sflag:s1] =	ssyncadd.s32 @!p0 $0xFFFFB000;
	s1 =	simm.s32 @!p4 $0x3  }
0x2b9: {  	_ =	swait.ge @!p4 [sflag:s1], $0x5000  }
0x2ba: {  	s4 =	simm.s32 @!p4 $0x14A00;
	[sflag:s1] =	ssyncset.done @!p4 $0x0  }
0x2bb: {  	s5 =	rddreg [dreg:$0x13];
	[sflag:s1] =	ssyncadd.s32 @!p4 $0xFFFFB000;
	s1 =	simm.s32 @!p4 $0x0  }
0x2bc: {  	[hbm4b:s5+s1] =	stream.linear.scatter @!p4 [tilespmem:s4], [sflag:$0x4], $0x5000, $0x38;
	[tilespmem:$0x1EB00] =	vst v63  }
0x2bd: {  	s1 =	simm.s32 @!p4 $0x4  }
0x2be: {  	_ =	swait.ge @!p4 [sflag:s1], $0x5000  }
0x2bf: {  	[sflag:s1] =	ssyncset.done @!p4 $0x0  }
0x2c0: {  	[sflag:s1] =	ssyncadd.s32 @!p4 $0xFFFFB000  }
.LBB2_21:
.Ltmp22:
0x2c1: {  	(pc) =	sbr.rel .LBB2_22-.Ltmp22, $3  }
0x2c2: {  	_ =	sdelay $0x1  }
0x2c3: {  	s5 =	simm.s32 $0x0  }
0x2c4: {  	s9 =	smov.u32 s12;
	s22 =	rddreg [dreg:$0x15];
	s19 =	simm.s32 $0x0  }
.LBB2_26:
0x2c5: {  	s19 =	sadd.s32 $0x1, s19  }
0x2c6: {  	p3 =	sne.s32 s19, $0x14  }
.Ltmp23:
0x2c7: {  	_ = 	snop;
	(pc) =	sbr.rel @!p3 .LBB2_27-.Ltmp23, $2  }
0x2c8: {  	_ =	sdelay $0x2  }
0x2c9: {  	s22 =	sadd.s32 $0x200, s22;
	s9 =	sadd.s32 $0x10, s9  }
.LBB2_22:
0x2ca: {  	s1 =	sshll.u32 s19, $0x4  }
0x2cb: {  	v3 =	vld [tilespmem:s1+$0xF700];
	_ =	sdelay $0x4  }
0x2cc: {  	vm0 =	vlt.s32 v3, $0x0  }
0x2cd: {  	v4 =	vmpcnt.ones.xlane vm0;
	_ =	sdelay $0x1  }
0x2ce: {  	(v2sf) =	vpush v4, $0x0;
	_ =	sdelay $0xe  }
0x2cf: {  	s30 =	spop (v2sf)  }
0x2d0: {  	p5 =	slt.s32 s30, $0x1  }
.Ltmp24:
0x2d1: {  	_ = 	snop;
	(pc) =	sbr.rel @p5 .LBB2_26-.Ltmp24, $1  }
0x2d2: {  	_ =	sdelay $0x3  }
0x2d3: {  	v4 =	vmov s5  }
0x2d4: {  	vm0 =	veq.s32 v4, v0  }
0x2d5: {  	v4 =	vnsel vm0, $0x0, v3  }
0x2d6: {  	(xrf0) =	vadd.scan.msk.s32 $0xffff, v4;
	_ =	sdelay $0x5  }
0x2d7: {  	s1 =	simm.s32 $0x1;
	v4, _, _ =	vpop (xrf0)  }
0x2d8: {  	(v2sf) =	vpush v4, $0xF;
	v4 =	vmov s1  }
0x2d9: {  	vm13 =	veq.s32 v4, v0  }
0x2da: {  	v5 =	vnsel vm13, $0x0, v3  }
0x2db: {  	(xrf0) =	vadd.scan.msk.s32 $0xffff, v5;
	_ =	sdelay $0x2  }
0x2dc: {  	s10 =	simm.s32 $0x2  }
0x2dd: {  	v4 =	vmov s10  }
0x2de: {  	vm14 =	veq.s32 v4, v0  }
0x2df: {  	v4 =	vnsel vm14, $0x0, v3;
	v5, _, _ =	vpop (xrf0)  }
0x2e0: {  	(xrf0) =	vadd.scan.msk.s32 $0xffff, v4;
	(v2sf) =	vpush v5, $0xF  }
0x2e1: {  	s21 =	sadd.s32 $0x0, s9  }
0x2e2: {  	p5 =	sgt.u32 s21, $0x270F;
	s21 =	simm.s32 $0x3  }
0x2e3: {  	v4 =	vmov s21;
	_ =	sdelay $0x2  }
0x2e4: {  	vm15 =	veq.s32 v4, v0;
	v4, _, _ =	vpop (xrf0);
	s1 =	spop (v2sf)  }
0x2e5: {  	(v2sf) =	vpush v4, $0xF;
	p6 =	sgt.s32 @!p5 s1, $0xFFFFFFFF  }
0x2e6: {  	s11 =	sadd.s32 $0x1, s9;
	s29 =	simm.s32 $0x4;
	p5 =	por p6, p5  }
0x2e7: {  	v5 =	vnsel vm15, $0x0, v3;
	s30 =	simm.s32 @!p5 $0x80;
	s1 =	simm.s32 @!p5 $0x400;
	s13 =	sand.u32 @!p5 $0x70, s5  }
0x2e8: {  	(xrf0) =	vadd.scan.msk.s32 $0xffff, v5;
	s4 =	simm.s32 @!p5 $0x19A00;
	s15 =	sand.u32 @!p5 $0x7FF00, s22;
	s13 =	sadd.s32 @!p5 s2, s13  }
0x2e9: {  	s20 =	sadd.s32 @!p5 s15, s13;
	s13 =	simm.s32 $0x0;
	s15 =	smov.u32 s22  }
.LBB2_24:
0x2ea: {  	[hbm4b:s20+s30] =	stream.strided.scatter @!p5 [tilespmem:s4], [sflag:$0x4], $0x100, s1, s30, $0x38;
	[tilespmem:$0x1EB00] =	vst v63  }
0x2eb: {  	s1 =	smov.u32 s10  }
0x2ec: {  	v5 =	vmov s29;
	s10 =	smov.u32 s21;
	s21 =	smov.u32 s29;
	p6 =	por p5, p5  }
0x2ed: {  	p5 =	sgt.u32 s11, $0x270F;
	s4 =	spop (v2sf)  }
0x2ee: {  	s13 =	sadd.s32 $0x10, s13;
	s29 =	sadd.s32 $0x1, s29;
	vm0 =	veq.s32 v5, v0;
	v4, _, _ =	vpop (xrf0);
	p3 =	sgt.s32 @!p5 s4, $0xFFFFFFFF  }
0x2ef: {  	s15 =	sadd.s32 $0x20, s15;
	v5 =	vnsel vm0, $0x0, v3;
	(v2sf) =	vpush v4, $0xF;
	p5 =	por p3, p5;
	p3 =	sne.s32 s29, $0x10  }
.Ltmp25:
0x2f0: {  	s11 =	sadd.s32 s1, s9;
	s14 =	simm.s32 @!p6 $0x4;
	(xrf0) =	vadd.scan.msk.s32 $0xffff, v5;
	(pc) =	sbr.rel @p3 .LBB2_24-.Ltmp25, $4  }
0x2f1: {  	s30 =	simm.s32 @!p5 $0x80;
	s1 =	simm.s32 @!p5 $0x400;
	s4 =	simm.s32 @!p5 $0x19A00  }
0x2f2: {  	s20 =	sand.u32 @!p5 $0x7FF00, s15;
	s16 =	sand.u32 @!p5 $0x70, s13;
	_ =	swait.ge @!p6 [sflag:s14], $0x100  }
0x2f3: {  	s16 =	sadd.s32 @!p5 s2, s16;
	[sflag:s14] =	ssyncset.done @!p6 $0x0  }
0x2f4: {  	s20 =	sadd.s32 @!p5 s20, s16;
	[sflag:s14] =	ssyncadd.s32 @!p6 $0xFFFFFF00  }
0x2f5: {  	_ = 	snop  }
0x2f6: {  	[hbm4b:s20+s30] =	stream.strided.scatter @!p5 [tilespmem:s4], [sflag:$0x4], $0x100, s1, s30, $0x38;
	v3, _, _ =	vpop (xrf0);
	[tilespmem:$0x1EB00] =	vst v63  }
0x2f7: {  	p3 =	sgt.u32 s11, $0x270F;
	s1 =	spop (v2sf);
	(v2sf) =	vpush v3, $0xF  }
0x2f8: {  	p5 =	por p5, p5;
	s4 =	sadd.s32 $0x20, s15;
	p6 =	sgt.s32 @!p3 s1, $0xFFFFFFFF  }
0x2f9: {  	s10 =	sadd.s32 s10, s9;
	s30 =	sadd.s32 s21, s9;
	p6 =	por p6, p3  }
0x2fa: {  	s1 =	sadd.s32 $0x10, s13;
	s11 =	simm.s32 @!p5 $0x4;
	s13 =	simm.s32 @!p6 $0x80  }
0x2fb: {  	s14 =	simm.s32 @!p6 $0x400;
	s15 =	sand.u32 @!p6 $0x70, s1;
	_ =	swait.ge @!p5 [sflag:s11], $0x100  }
0x2fc: {  	s16 =	sand.u32 @!p6 $0x7FF00, s4;
	s15 =	sadd.s32 @!p6 s2, s15;
	[sflag:s11] =	ssyncset.done @!p5 $0x0  }
0x2fd: {  	s20 =	simm.s32 @!p6 $0x19A00;
	s15 =	sadd.s32 @!p6 s16, s15;
	[sflag:s11] =	ssyncadd.s32 @!p5 $0xFFFFFF00  }
0x2fe: {  	[hbm4b:s15+s13] =	stream.strided.scatter @!p6 [tilespmem:s20], [sflag:$0x4], $0x100, s14, s13, $0x38;
	[tilespmem:$0x1EB00] =	vst v63  }
0x2ff: {  	p3 =	sgt.u32 s10, $0x270F;
	p6 =	por p6, p6;
	s10 =	spop (v2sf)  }
0x300: {  	s1 =	sadd.s32 $0x10, s1;
	s11 =	simm.s32 @!p6 $0x4;
	p5 =	sgt.s32 @!p3 s10, $0xFFFFFFFF  }
0x301: {  	s4 =	sadd.s32 $0x20, s4;
	_ =	swait.ge @!p6 [sflag:s11], $0x100;
	p5 =	por p5, p3  }
0x302: {  	[sflag:s11] =	ssyncset.done @!p6 $0x0;
	s13 =	simm.s32 @!p5 $0x80;
	s15 =	sand.u32 @!p5 $0x70, s1  }
0x303: {  	s14 =	simm.s32 @!p5 $0x400;
	s16 =	sand.u32 @!p5 $0x7FF00, s4;
	s15 =	sadd.s32 @!p5 s2, s15  }
0x304: {  	s20 =	simm.s32 @!p5 $0x19A00;
	[sflag:s11] =	ssyncadd.s32 @!p6 $0xFFFFFF00;
	s15 =	sadd.s32 @!p5 s16, s15  }
0x305: {  	[hbm4b:s15+s13] =	stream.strided.scatter @!p5 [tilespmem:s20], [sflag:$0x4], $0x100, s14, s13, $0x38;
	[tilespmem:$0x1EB00] =	vst v63  }
0x306: {  	p3 =	sgt.u32 s30, $0x270F;
	p5 =	por p5, p5;
	s10 =	spop (v2sf)  }
0x307: {  	s1 =	sadd.s32 $0x10, s1;
	p6 =	sgt.s32 @!p3 s10, $0xFFFFFFFF;
	s10 =	simm.s32 @!p5 $0x4  }
0x308: {  	s4 =	sadd.s32 $0x20, s4;
	p3 =	por p6, p3;
	_ =	swait.ge @!p5 [sflag:s10], $0x100  }
0x309: {  	s11 =	simm.s32 @!p3 $0x80;
	s13 =	simm.s32 @!p3 $0x400;
	s1 =	sand.u32 @!p3 $0x70, s1  }
0x30a: {  	s4 =	sand.u32 @!p3 $0x7FF00, s4;
	[sflag:s10] =	ssyncset.done @!p5 $0x0;
	s1 =	sadd.s32 @!p3 s2, s1  }
0x30b: {  	s14 =	simm.s32 @!p3 $0x19A00;
	[sflag:s10] =	ssyncadd.s32 @!p5 $0xFFFFFF00;
	s1 =	sadd.s32 @!p3 s4, s1  }
0x30c: {  	[hbm4b:s1+s11] =	stream.strided.scatter @!p3 [tilespmem:s14], [sflag:$0x4], $0x100, s13, s11, $0x38;
	[tilespmem:$0x1EB00] =	vst v63  }
.Ltmp26:
0x30d: {  	p3 =	por p3, p3;
	(pc) =	sbr.rel .LBB2_26-.Ltmp26, $4  }
0x30e: {  	s1 =	simm.s32 @!p3 $0x4  }
0x30f: {  	_ =	swait.ge @!p3 [sflag:s1], $0x100  }
0x310: {  	[sflag:s1] =	ssyncset.done @!p3 $0x0  }
0x311: {  	[sflag:s1] =	ssyncadd.s32 @!p3 $0xFFFFFF00  }
.LBB2_28:
0x312: {  	_ =	sfence.sel $0x180000  }
0x313: {  	[bflag:$0x0] =	sbarrier.arrive $0xFFFF  }
0x314: {  	_ =	strace $0x90000047  }
0x315: {  	s0 =	stileid.u32;
	[bflag:$0x2] =	sbarrier.arrive $0xFFFF  }
0x316: {  	p0 =	sne.s32 s0, $0x0;
	s0 =	rddreg [dreg:$0x7]  }
0x317: {  	s0 =	sadd.s32 @!p0 $0x100000, s0  }
0x318: {  	[sflag:s0] =	ssyncadd.tile.s32 @!p0 $0x1;
	_ =	shalt  }
.Lfunc_end2:
_tile_overlayer_lowered:
.L_overlay_start_2:
0x319: {  	(tag) =	ssettag $0x2  }
0x31a: {  	s0 =	rddreg [dreg:$0x0];
	s2 =	stileid.u32  }
0x31b: {  	s1 =	rddreg [dreg:$0x1];
	p0 =	sne.s32 s2, $0x0  }
0x31c: {  	s3 =	rddreg [dreg:$0x2];
	[bflag:$0x3] =	sbarrier.arrive $0xFFFF;
	s2 =	simm.s32 @!p0 $0x1C04  }
0x31d: {  	[timem:s3], [sflag:s2] =	dma.local @!p0 [hbm:s0], s1  }
0x31e: {  	s0 =	simm.s32 @!p0 $0x4  }
0x31f: {  	_ =	swait.ge @!p0 [sflag:s0], s1  }
0x320: {  	s1 =	ssub.s32 @!p0 $0x0, s1;
	[sflag:s0] =	ssyncset.done @!p0 $0x0  }
0x321: {  	[sflag:s0] =	ssyncadd.s32 @!p0 s1  }
0x322: {  	[bflag:$0x3] =	sbarrier.arrive $0xFFFF  }
0x323: {  	_ =	shalt  }

</sc_bundles>
